<compile_context>
chip_gen: v7x
topology: tpu7x:2x2x1
jax: 0.10.2.dev20260603
libtpu: 0.0.44.dev20260713+nightly
codegen_flags: <defaults>
</compile_context>

<pallas_src>
import functools

import jax
import jax.numpy as jnp
from jax import lax
from jax.experimental import pallas as pl
from jax.experimental.pallas import tpu as pltpu
from jax.experimental.pallas import tpu_sc as plsc

_B = 4096
_SD = 200 * 64
_LANES = 16
_NW = 32
_CH = 4
_NB = 4
_UNROLL = 8

_SC_ROWS = 3072
_TC_ROWS = _SD - _SC_ROWS
_TC_BLK = 512


def _make_sc_kernel(sc_rows):
    rpw = sc_rows // _NW
    n_outer = rpw // _CH // _NB
    mesh = plsc.VectorSubcoreMesh(core_axis_name="c", subcore_axis_name="s")

    @functools.partial(
        pl.kernel,
        mesh=mesh,
        out_type=jax.ShapeDtypeStruct((_SD, _B), jnp.float32),
        scratch_types=[
            pltpu.VMEM((rpw * _LANES,), jnp.float32),
            pltpu.VMEM((_NB, _CH, _B), jnp.float32),
            pltpu.SemaphoreType.DMA((_NB,)),
            pltpu.SemaphoreType.DMA((_NB,)),
        ],
    )
    def sc_add(x_hbm, posb_hbm, out_hbm, posv, buf, in_sems, out_sems):
        wid = lax.axis_index("s") * 2 + lax.axis_index("c")
        base = wid * rpw

        pltpu.sync_copy(
            posb_hbm.at[pl.ds(base * _LANES, rpw * _LANES)], posv
        )

        for b in range(_NB):
            pltpu.async_copy(
                x_hbm.at[pl.ds(base + b * _CH, _CH)], buf.at[b], in_sems.at[b]
            )

        def outer(i, carry):
            for b in range(_NB):
                k = i * _NB + b
                row0 = base + k * _CH
                pltpu.make_async_copy(
                    x_hbm.at[pl.ds(row0, _CH)], buf.at[b], in_sems.at[b]
                ).wait()

                for r in range(_CH):
                    rowref = buf.at[b, r]
                    psplat = posv[pl.ds((k * _CH + r) * _LANES, _LANES)]

                    @plsc.parallel_loop(0, _B, step=_LANES, unroll=_UNROLL)
                    def _add(c):
                        sl = pl.ds(c, _LANES)
                        rowref[sl] = rowref[sl] + psplat

                pltpu.async_copy(
                    buf.at[b], out_hbm.at[pl.ds(row0, _CH)], out_sems.at[b]
                )

                @pl.when(i < n_outer - 1)
                def _prefetch():
                    pltpu.make_async_copy(
                        buf.at[b], out_hbm.at[pl.ds(row0, _CH)], out_sems.at[b]
                    ).wait()
                    pltpu.async_copy(
                        x_hbm.at[pl.ds(row0 + _NB * _CH, _CH)],
                        buf.at[b],
                        in_sems.at[b],
                    )

            return carry

        lax.fori_loop(0, n_outer, outer, 0)

        for b in range(_NB):
            row0 = base + ((n_outer - 1) * _NB + b) * _CH
            pltpu.make_async_copy(
                buf.at[b], out_hbm.at[pl.ds(row0, _CH)], out_sems.at[b]
            ).wait()

    return sc_add


def _tc_tail_body(x_ref, pos_ref, sc_ref, out_ref):
    del sc_ref
    out_ref[...] = x_ref[...] + pos_ref[...]


def _tc_tail(xt, post, sc_full):
    off = _SC_ROWS // _TC_BLK
    return pl.pallas_call(
        _tc_tail_body,
        grid=(_TC_ROWS // _TC_BLK,),
        in_specs=[
            pl.BlockSpec((_TC_BLK, _B), lambda i: (i + off, 0)),
            pl.BlockSpec((_TC_BLK, 1), lambda i: (i + off, 0)),
            pl.BlockSpec(memory_space=pl.ANY),
        ],
        out_specs=pl.BlockSpec((_TC_BLK, _B), lambda i: (i + off, 0)),
        out_shape=jax.ShapeDtypeStruct((_SD, _B), jnp.float32),
        input_output_aliases={2: 0},
        compiler_params=pltpu.CompilerParams(
            dimension_semantics=("arbitrary",),
        ),
    )(xt, post, sc_full)


def kernel(x, pos_table):
    B, S, D = x.shape
    xt = x.transpose(1, 2, 0).reshape(S * D, B)
    pos_flat = pos_table[:S].reshape(S * D)
    posb = jnp.repeat(pos_flat, _LANES)
    sc_full = _make_sc_kernel(_SC_ROWS)(xt, posb)
    out_t = _tc_tail(xt, pos_flat.reshape(S * D, 1), sc_full)
    return out_t.reshape(S, D, B).transpose(2, 0, 1)

# --- scband reference (transcript-rebuilt; emitter-appended) ---
"""Pipeline reference for scband-simple-position-embedding-6210522710214 (READ-ONLY COPY).

The authoritative reference and input builder live on the scoring server;
editing this copy changes nothing except your own understanding.
"""

import jax, jax.numpy as jnp
import numpy as np

SEQ_LEN = 200
EMBED_DIM = 64
BATCH = 4096

def setup_inputs(seed: int = 0) -> dict:
    key = jax.random.key(seed)
    k1, k2 = jax.random.split(key)
    x = jax.random.normal(k1, (BATCH, SEQ_LEN, EMBED_DIM), dtype=jnp.float32)
    # nn.Embedding default init: N(0, 1)
    pos_table = jax.random.normal(k2, (SEQ_LEN, EMBED_DIM), dtype=jnp.float32)
    return {"x": x, "pos_table": pos_table}

def reference(x, pos_table):
    actual_seq_len = min(x.shape[1], pos_table.shape[0])
    pos_embedding = jnp.take(pos_table, jnp.arange(actual_seq_len), axis=0)
    out = x + pos_embedding
    # dropout with p=0.0 (or eval mode) is identity
    return out

if __name__ == "__main__":
    import jax
    _d = setup_inputs()
    print(jax.jit(kernel)(*tuple(_d.values())))

</pallas_src>

<mosaic_0001>
#map = affine_map<(d0, d1) -> (0, 0)>
#map1 = affine_map<(d0, d1) -> (0)>
module attributes {stable_mosaic.version = 14 : i64} {
  func.func @sc_add(%arg0: i32, %arg1: i32, %arg2: memref<12800x4096xf32, #tpu.memory_space<hbm>>, %arg3: memref<204800xf32, #tpu.memory_space<hbm>>, %arg4: memref<12800x4096xf32, #tpu.memory_space<hbm>>, %arg5: memref<1536xf32, #tpu.memory_space<vmem>>, %arg6: memref<4x4x4096xf32, #tpu.memory_space<vmem>>, %arg7: memref<4x!tpu.dma_semaphore, #tpu.memory_space<semaphore_mem>>, %arg8: memref<4x!tpu.dma_semaphore, #tpu.memory_space<semaphore_mem>>) attributes {dimension_semantics = [#tpu.dimension_semantics<core_parallel>, #tpu.dimension_semantics<subcore_parallel>], iteration_bounds = array<i64: 2, 16>, scalar_prefetch = 0 : i64, scratch_operands = 4 : i64, tpu.core_type = #tpu.core_type<sc_vector_subcore>, window_params = [{transform_indices = #map}, {transform_indices = #map1}, {transform_indices = #map}]} {
    %mul3A = arith.constant 2 : i32
    %mul3A_0 = arith.muli %arg1, %mul3A : i32
    %add3A = arith.addi %mul3A_0, %arg0 : i32
    %mul3A_1 = arith.constant 96 : i32
    %mul3A_2 = arith.muli %add3A, %mul3A_1 : i32
    %mul3A_3 = arith.constant 16 : i32
    %mul3A_4 = arith.muli %mul3A_2, %mul3A_3 : i32
    "tpu.region"() ({
      %run_scoped3A = tpu.sem_alloc : memref<!tpu.dma_semaphore, #tpu.memory_space<semaphore_mem>>
      %dma_start3A_152 = tpu.memref_slice %arg3[%mul3A_4] : memref<204800xf32, #tpu.memory_space<hbm>> -> memref<1536xf32, #tpu.memory_space<hbm>>
      %dma_start3A_153 = tpu.memref_slice %arg3[%mul3A_4] : memref<204800xf32, #tpu.memory_space<hbm>> -> memref<1536xf32, #tpu.memory_space<hbm>>
      tpu.enqueue_dma source(%dma_start3A_153 : memref<1536xf32, #tpu.memory_space<hbm>>) target(%arg5 : memref<1536xf32, #tpu.memory_space<vmem>>) target_semaphore(%run_scoped3A : memref<!tpu.dma_semaphore, #tpu.memory_space<semaphore_mem>>)
      %dma_wait3A_154 = tpu.memref_slice %arg3[%mul3A_4] : memref<204800xf32, #tpu.memory_space<hbm>> -> memref<1536xf32, #tpu.memory_space<hbm>>
      %dma_wait3A_155 = tpu.memref_slice %arg3[%mul3A_4] : memref<204800xf32, #tpu.memory_space<hbm>> -> memref<1536xf32, #tpu.memory_space<hbm>>
      tpu.wait_dma2 semaphore(%run_scoped3A : memref<!tpu.dma_semaphore, #tpu.memory_space<semaphore_mem>>) src(%dma_wait3A_155 : memref<1536xf32, #tpu.memory_space<hbm>>) dst(%arg5 : memref<1536xf32, #tpu.memory_space<vmem>>)
      tpu.yield
    }) : () -> ()
    %add3A_5 = arith.constant 0 : i32
    %add3A_6 = arith.addi %mul3A_2, %add3A_5 : i32
    %dma_start3A = arith.constant 0 : i32
    %dma_start3A_7 = arith.constant 0 : i32
    %dma_start3A_8 = arith.constant 0 : i32
    %dma_start3A_9 = arith.constant 0 : i32
    %dma_start3A_10 = tpu.memref_slice %arg6[%dma_start3A, %dma_start3A_8, %dma_start3A_9] : memref<4x4x4096xf32, #tpu.memory_space<vmem>> -> memref<1x4x4096xf32, #tpu.memory_space<vmem>>
    %dma_start3A_11 = tpu.memref_squeeze %dma_start3A_10 : memref<1x4x4096xf32, #tpu.memory_space<vmem>> -> memref<4x4096xf32, #tpu.memory_space<vmem>>
    %dma_start3A_12 = arith.constant 0 : i32
    %dma_start3A_13 = tpu.memref_slice %arg2[%add3A_6, %dma_start3A_12] : memref<12800x4096xf32, #tpu.memory_space<hbm>> -> memref<4x4096xf32, #tpu.memory_space<hbm>>
    %dma_start3A_14 = tpu.memref_slice %arg7[%dma_start3A_7] : memref<4x!tpu.dma_semaphore, #tpu.memory_space<semaphore_mem>> -> memref<1x!tpu.dma_semaphore, #tpu.memory_space<semaphore_mem>>
    %dma_start3A_15 = tpu.memref_squeeze %dma_start3A_14 : memref<1x!tpu.dma_semaphore, #tpu.memory_space<semaphore_mem>> -> memref<!tpu.dma_semaphore, #tpu.memory_space<semaphore_mem>>
    %dma_start3A_16 = arith.constant 0 : i32
    %dma_start3A_17 = arith.constant 0 : i32
    %dma_start3A_18 = tpu.memref_slice %arg6[%dma_start3A, %dma_start3A_16, %dma_start3A_17] : memref<4x4x4096xf32, #tpu.memory_space<vmem>> -> memref<1x4x4096xf32, #tpu.memory_space<vmem>>
    %dma_start3A_19 = tpu.memref_squeeze %dma_start3A_18 : memref<1x4x4096xf32, #tpu.memory_space<vmem>> -> memref<4x4096xf32, #tpu.memory_space<vmem>>
    %dma_start3A_20 = arith.constant 0 : i32
    %dma_start3A_21 = tpu.memref_slice %arg2[%add3A_6, %dma_start3A_20] : memref<12800x4096xf32, #tpu.memory_space<hbm>> -> memref<4x4096xf32, #tpu.memory_space<hbm>>
    tpu.enqueue_dma source(%dma_start3A_21 : memref<4x4096xf32, #tpu.memory_space<hbm>>) target(%dma_start3A_19 : memref<4x4096xf32, #tpu.memory_space<vmem>>) target_semaphore(%dma_start3A_15 : memref<!tpu.dma_semaphore, #tpu.memory_space<semaphore_mem>>)
    %add3A_22 = arith.constant 4 : i32
    %add3A_23 = arith.addi %mul3A_2, %add3A_22 : i32
    %dma_start3A_24 = arith.constant 1 : i32
    %dma_start3A_25 = arith.constant 1 : i32
    %dma_start3A_26 = arith.constant 0 : i32
    %dma_start3A_27 = arith.constant 0 : i32
    %dma_start3A_28 = tpu.memref_slice %arg6[%dma_start3A_24, %dma_start3A_26, %dma_start3A_27] : memref<4x4x4096xf32, #tpu.memory_space<vmem>> -> memref<1x4x4096xf32, #tpu.memory_space<vmem>>
    %dma_start3A_29 = tpu.memref_squeeze %dma_start3A_28 : memref<1x4x4096xf32, #tpu.memory_space<vmem>> -> memref<4x4096xf32, #tpu.memory_space<vmem>>
    %dma_start3A_30 = arith.constant 0 : i32
    %dma_start3A_31 = tpu.memref_slice %arg2[%add3A_23, %dma_start3A_30] : memref<12800x4096xf32, #tpu.memory_space<hbm>> -> memref<4x4096xf32, #tpu.memory_space<hbm>>
    %dma_start3A_32 = tpu.memref_slice %arg7[%dma_start3A_25] : memref<4x!tpu.dma_semaphore, #tpu.memory_space<semaphore_mem>> -> memref<1x!tpu.dma_semaphore, #tpu.memory_space<semaphore_mem>>
    %dma_start3A_33 = tpu.memref_squeeze %dma_start3A_32 : memref<1x!tpu.dma_semaphore, #tpu.memory_space<semaphore_mem>> -> memref<!tpu.dma_semaphore, #tpu.memory_space<semaphore_mem>>
    %dma_start3A_34 = arith.constant 0 : i32
    %dma_start3A_35 = arith.constant 0 : i32
    %dma_start3A_36 = tpu.memref_slice %arg6[%dma_start3A_24, %dma_start3A_34, %dma_start3A_35] : memref<4x4x4096xf32, #tpu.memory_space<vmem>> -> memref<1x4x4096xf32, #tpu.memory_space<vmem>>
    %dma_start3A_37 = tpu.memref_squeeze %dma_start3A_36 : memref<1x4x4096xf32, #tpu.memory_space<vmem>> -> memref<4x4096xf32, #tpu.memory_space<vmem>>
    %dma_start3A_38 = arith.constant 0 : i32
    %dma_start3A_39 = tpu.memref_slice %arg2[%add3A_23, %dma_start3A_38] : memref<12800x4096xf32, #tpu.memory_space<hbm>> -> memref<4x4096xf32, #tpu.memory_space<hbm>>
    tpu.enqueue_dma source(%dma_start3A_39 : memref<4x4096xf32, #tpu.memory_space<hbm>>) target(%dma_start3A_37 : memref<4x4096xf32, #tpu.memory_space<vmem>>) target_semaphore(%dma_start3A_33 : memref<!tpu.dma_semaphore, #tpu.memory_space<semaphore_mem>>)
    %add3A_40 = arith.constant 8 : i32
    %add3A_41 = arith.addi %mul3A_2, %add3A_40 : i32
    %dma_start3A_42 = arith.constant 2 : i32
    %dma_start3A_43 = arith.constant 2 : i32
    %dma_start3A_44 = arith.constant 0 : i32
    %dma_start3A_45 = arith.constant 0 : i32
    %dma_start3A_46 = tpu.memref_slice %arg6[%dma_start3A_42, %dma_start3A_44, %dma_start3A_45] : memref<4x4x4096xf32, #tpu.memory_space<vmem>> -> memref<1x4x4096xf32, #tpu.memory_space<vmem>>
    %dma_start3A_47 = tpu.memref_squeeze %dma_start3A_46 : memref<1x4x4096xf32, #tpu.memory_space<vmem>> -> memref<4x4096xf32, #tpu.memory_space<vmem>>
    %dma_start3A_48 = arith.constant 0 : i32
    %dma_start3A_49 = tpu.memref_slice %arg2[%add3A_41, %dma_start3A_48] : memref<12800x4096xf32, #tpu.memory_space<hbm>> -> memref<4x4096xf32, #tpu.memory_space<hbm>>
    %dma_start3A_50 = tpu.memref_slice %arg7[%dma_start3A_43] : memref<4x!tpu.dma_semaphore, #tpu.memory_space<semaphore_mem>> -> memref<1x!tpu.dma_semaphore, #tpu.memory_space<semaphore_mem>>
    %dma_start3A_51 = tpu.memref_squeeze %dma_start3A_50 : memref<1x!tpu.dma_semaphore, #tpu.memory_space<semaphore_mem>> -> memref<!tpu.dma_semaphore, #tpu.memory_space<semaphore_mem>>
    %dma_start3A_52 = arith.constant 0 : i32
    %dma_start3A_53 = arith.constant 0 : i32
    %dma_start3A_54 = tpu.memref_slice %arg6[%dma_start3A_42, %dma_start3A_52, %dma_start3A_53] : memref<4x4x4096xf32, #tpu.memory_space<vmem>> -> memref<1x4x4096xf32, #tpu.memory_space<vmem>>
    %dma_start3A_55 = tpu.memref_squeeze %dma_start3A_54 : memref<1x4x4096xf32, #tpu.memory_space<vmem>> -> memref<4x4096xf32, #tpu.memory_space<vmem>>
    %dma_start3A_56 = arith.constant 0 : i32
    %dma_start3A_57 = tpu.memref_slice %arg2[%add3A_41, %dma_start3A_56] : memref<12800x4096xf32, #tpu.memory_space<hbm>> -> memref<4x4096xf32, #tpu.memory_space<hbm>>
    tpu.enqueue_dma source(%dma_start3A_57 : memref<4x4096xf32, #tpu.memory_space<hbm>>) target(%dma_start3A_55 : memref<4x4096xf32, #tpu.memory_space<vmem>>) target_semaphore(%dma_start3A_51 : memref<!tpu.dma_semaphore, #tpu.memory_space<semaphore_mem>>)
    %add3A_58 = arith.constant 12 : i32
    %add3A_59 = arith.addi %mul3A_2, %add3A_58 : i32
    %dma_start3A_60 = arith.constant 3 : i32
    %dma_start3A_61 = arith.constant 3 : i32
    %dma_start3A_62 = arith.constant 0 : i32
    %dma_start3A_63 = arith.constant 0 : i32
    %dma_start3A_64 = tpu.memref_slice %arg6[%dma_start3A_60, %dma_start3A_62, %dma_start3A_63] : memref<4x4x4096xf32, #tpu.memory_space<vmem>> -> memref<1x4x4096xf32, #tpu.memory_space<vmem>>
    %dma_start3A_65 = tpu.memref_squeeze %dma_start3A_64 : memref<1x4x4096xf32, #tpu.memory_space<vmem>> -> memref<4x4096xf32, #tpu.memory_space<vmem>>
    %dma_start3A_66 = arith.constant 0 : i32
    %dma_start3A_67 = tpu.memref_slice %arg2[%add3A_59, %dma_start3A_66] : memref<12800x4096xf32, #tpu.memory_space<hbm>> -> memref<4x4096xf32, #tpu.memory_space<hbm>>
    %dma_start3A_68 = tpu.memref_slice %arg7[%dma_start3A_61] : memref<4x!tpu.dma_semaphore, #tpu.memory_space<semaphore_mem>> -> memref<1x!tpu.dma_semaphore, #tpu.memory_space<semaphore_mem>>
    %dma_start3A_69 = tpu.memref_squeeze %dma_start3A_68 : memref<1x!tpu.dma_semaphore, #tpu.memory_space<semaphore_mem>> -> memref<!tpu.dma_semaphore, #tpu.memory_space<semaphore_mem>>
    %dma_start3A_70 = arith.constant 0 : i32
    %dma_start3A_71 = arith.constant 0 : i32
    %dma_start3A_72 = tpu.memref_slice %arg6[%dma_start3A_60, %dma_start3A_70, %dma_start3A_71] : memref<4x4x4096xf32, #tpu.memory_space<vmem>> -> memref<1x4x4096xf32, #tpu.memory_space<vmem>>
    %dma_start3A_73 = tpu.memref_squeeze %dma_start3A_72 : memref<1x4x4096xf32, #tpu.memory_space<vmem>> -> memref<4x4096xf32, #tpu.memory_space<vmem>>
    %dma_start3A_74 = arith.constant 0 : i32
    %dma_start3A_75 = tpu.memref_slice %arg2[%add3A_59, %dma_start3A_74] : memref<12800x4096xf32, #tpu.memory_space<hbm>> -> memref<4x4096xf32, #tpu.memory_space<hbm>>
    tpu.enqueue_dma source(%dma_start3A_75 : memref<4x4096xf32, #tpu.memory_space<hbm>>) target(%dma_start3A_73 : memref<4x4096xf32, #tpu.memory_space<vmem>>) target_semaphore(%dma_start3A_69 : memref<!tpu.dma_semaphore, #tpu.memory_space<semaphore_mem>>)
    %scan3A = arith.constant 0 : i32
    %scan3A_76 = arith.constant 0 : i32
    %scan3A_77 = arith.constant 6 : i32
    %scan3A_78 = arith.addi %scan3A_76, %scan3A_77 : i32
    %scan3A_79 = arith.constant 1 : i32
    scf.for %scan3A_152 = %scan3A_76 to %scan3A_78 step %scan3A_79  : i32 {
      %mul3A_153 = arith.constant 4 : i32
      %mul3A_154 = arith.muli %scan3A_152, %mul3A_153 : i32
      %add3A_155 = arith.constant 0 : i32
      %add3A_156 = arith.addi %mul3A_154, %add3A_155 : i32
      %mul3A_157 = arith.constant 4 : i32
      %mul3A_158 = arith.muli %add3A_156, %mul3A_157 : i32
      %add3A_159 = arith.addi %mul3A_2, %mul3A_158 : i32
      %dma_wait3A_160 = arith.constant 0 : i32
      %dma_wait3A_161 = arith.constant 0 : i32
      %dma_wait3A_162 = arith.constant 0 : i32
      %dma_wait3A_163 = arith.constant 0 : i32
      %dma_wait3A_164 = tpu.memref_slice %arg6[%dma_wait3A_160, %dma_wait3A_162, %dma_wait3A_163] : memref<4x4x4096xf32, #tpu.memory_space<vmem>> -> memref<1x4x4096xf32, #tpu.memory_space<vmem>>
      %dma_wait3A_165 = tpu.memref_squeeze %dma_wait3A_164 : memref<1x4x4096xf32, #tpu.memory_space<vmem>> -> memref<4x4096xf32, #tpu.memory_space<vmem>>
      %dma_wait3A_166 = arith.constant 0 : i32
      %dma_wait3A_167 = tpu.memref_slice %arg2[%add3A_159, %dma_wait3A_166] : memref<12800x4096xf32, #tpu.memory_space<hbm>> -> memref<4x4096xf32, #tpu.memory_space<hbm>>
      %dma_wait3A_168 = tpu.memref_slice %arg7[%dma_wait3A_161] : memref<4x!tpu.dma_semaphore, #tpu.memory_space<semaphore_mem>> -> memref<1x!tpu.dma_semaphore, #tpu.memory_space<semaphore_mem>>
      %dma_wait3A_169 = tpu.memref_squeeze %dma_wait3A_168 : memref<1x!tpu.dma_semaphore, #tpu.memory_space<semaphore_mem>> -> memref<!tpu.dma_semaphore, #tpu.memory_space<semaphore_mem>>
      %dma_wait3A_170 = arith.constant 0 : i32
      %dma_wait3A_171 = arith.constant 0 : i32
      %dma_wait3A_172 = tpu.memref_slice %arg6[%dma_wait3A_160, %dma_wait3A_170, %dma_wait3A_171] : memref<4x4x4096xf32, #tpu.memory_space<vmem>> -> memref<1x4x4096xf32, #tpu.memory_space<vmem>>
      %dma_wait3A_173 = tpu.memref_squeeze %dma_wait3A_172 : memref<1x4x4096xf32, #tpu.memory_space<vmem>> -> memref<4x4096xf32, #tpu.memory_space<vmem>>
      %dma_wait3A_174 = arith.constant 0 : i32
      %dma_wait3A_175 = tpu.memref_slice %arg2[%add3A_159, %dma_wait3A_174] : memref<12800x4096xf32, #tpu.memory_space<hbm>> -> memref<4x4096xf32, #tpu.memory_space<hbm>>
      tpu.wait_dma2 semaphore(%dma_wait3A_169 : memref<!tpu.dma_semaphore, #tpu.memory_space<semaphore_mem>>) src(%dma_wait3A_175 : memref<4x4096xf32, #tpu.memory_space<hbm>>) dst(%dma_wait3A_173 : memref<4x4096xf32, #tpu.memory_space<vmem>>)
      %mul3A_176 = arith.constant 4 : i32
      %mul3A_177 = arith.muli %add3A_156, %mul3A_176 : i32
      %add3A_178 = arith.constant 0 : i32
      %add3A_179 = arith.addi %mul3A_177, %add3A_178 : i32
      %mul3A_180 = arith.constant 16 : i32
      %mul3A_181 = arith.muli %add3A_179, %mul3A_180 : i32
      %get3A = arith.index_cast %mul3A_181 : i32 to index
      %get3A_182 = tpu.vector_load %arg5[%get3A] {strides = array<i32>} : memref<1536xf32, #tpu.memory_space<vmem>>, vector<16xf32>,
      %get3A_183 = vector.shape_cast %get3A_182 : vector<16xf32> to vector<16xf32>
      %parallel_loop3A = arith.constant 0 : i32
      %parallel_loop3A_184 = arith.constant 4096 : i32
      %parallel_loop3A_185 = arith.constant 16 : i32
      %parallel_loop3A_186 = arith.constant 0 : i32
      %parallel_loop3A_187 = arith.constant 0 : i32
      scf.for %parallel_loop3A_548 = %parallel_loop3A to %parallel_loop3A_184 step %parallel_loop3A_185  : i32 {
        %parallel_loop3A_549 = arith.constant 0 : i32
        %parallel_loop3A_550 = tpu.memref_slice %arg6[%parallel_loop3A_186, %parallel_loop3A_187, %parallel_loop3A_549] : memref<4x4x4096xf32, #tpu.memory_space<vmem>> -> memref<1x1x4096xf32, #tpu.memory_space<vmem>>
        %parallel_loop3A_551 = tpu.memref_squeeze %parallel_loop3A_550 : memref<1x1x4096xf32, #tpu.memory_space<vmem>> -> memref<4096xf32, #tpu.memory_space<vmem>>
        %parallel_loop3A_552 = arith.index_cast %parallel_loop3A_548 : i32 to index
        %parallel_loop3A_553 = tpu.vector_load %parallel_loop3A_551[%parallel_loop3A_552] {strides = array<i32>} : memref<4096xf32, #tpu.memory_space<vmem>>, vector<16xf32>,
        %parallel_loop3A_554 = vector.shape_cast %parallel_loop3A_553 : vector<16xf32> to vector<16xf32>
        %parallel_loop3A_555 = arith.addf %parallel_loop3A_554, %get3A_183 : vector<16xf32>
        %parallel_loop3A_556 = arith.constant 0 : i32
        %parallel_loop3A_557 = tpu.memref_slice %arg6[%parallel_loop3A_186, %parallel_loop3A_187, %parallel_loop3A_556] : memref<4x4x4096xf32, #tpu.memory_space<vmem>> -> memref<1x1x4096xf32, #tpu.memory_space<vmem>>
        %parallel_loop3A_558 = tpu.memref_squeeze %parallel_loop3A_557 : memref<1x1x4096xf32, #tpu.memory_space<vmem>> -> memref<4096xf32, #tpu.memory_space<vmem>>
        %parallel_loop3A_559 = arith.index_cast %parallel_loop3A_548 : i32 to index
        %parallel_loop3A_560 = tpu.vector_load %parallel_loop3A_558[%parallel_loop3A_559] {strides = array<i32>} : memref<4096xf32, #tpu.memory_space<vmem>>, vector<16xf32>,
        %parallel_loop3A_561 = vector.shape_cast %parallel_loop3A_560 : vector<16xf32> to vector<16xf32>
        %parallel_loop3A_562 = vector.shape_cast %parallel_loop3A_555 : vector<16xf32> to vector<16xf32>
        tpu.vector_store %parallel_loop3A_558[%parallel_loop3A_559], %parallel_loop3A_562 {strides = array<i32>} : memref<4096xf32, #tpu.memory_space<vmem>>, vector<16xf32>,
      } {sc.loop_unroll_factor = 8 : i64, sc.parallel_access}
      %mul3A_188 = arith.constant 4 : i32
      %mul3A_189 = arith.muli %add3A_156, %mul3A_188 : i32
      %add3A_190 = arith.constant 1 : i32
      %add3A_191 = arith.addi %mul3A_189, %add3A_190 : i32
      %mul3A_192 = arith.constant 16 : i32
      %mul3A_193 = arith.muli %add3A_191, %mul3A_192 : i32
      %get3A_194 = arith.index_cast %mul3A_193 : i32 to index
      %get3A_195 = tpu.vector_load %arg5[%get3A_194] {strides = array<i32>} : memref<1536xf32, #tpu.memory_space<vmem>>, vector<16xf32>,
      %get3A_196 = vector.shape_cast %get3A_195 : vector<16xf32> to vector<16xf32>
      %parallel_loop3A_197 = arith.constant 0 : i32
      %parallel_loop3A_198 = arith.constant 4096 : i32
      %parallel_loop3A_199 = arith.constant 16 : i32
      %parallel_loop3A_200 = arith.constant 0 : i32
      %parallel_loop3A_201 = arith.constant 1 : i32
      scf.for %parallel_loop3A_548 = %parallel_loop3A_197 to %parallel_loop3A_198 step %parallel_loop3A_199  : i32 {
        %parallel_loop3A_549 = arith.constant 0 : i32
        %parallel_loop3A_550 = tpu.memref_slice %arg6[%parallel_loop3A_200, %parallel_loop3A_201, %parallel_loop3A_549] : memref<4x4x4096xf32, #tpu.memory_space<vmem>> -> memref<1x1x4096xf32, #tpu.memory_space<vmem>>
        %parallel_loop3A_551 = tpu.memref_squeeze %parallel_loop3A_550 : memref<1x1x4096xf32, #tpu.memory_space<vmem>> -> memref<4096xf32, #tpu.memory_space<vmem>>
        %parallel_loop3A_552 = arith.index_cast %parallel_loop3A_548 : i32 to index
        %parallel_loop3A_553 = tpu.vector_load %parallel_loop3A_551[%parallel_loop3A_552] {strides = array<i32>} : memref<4096xf32, #tpu.memory_space<vmem>>, vector<16xf32>,
        %parallel_loop3A_554 = vector.shape_cast %parallel_loop3A_553 : vector<16xf32> to vector<16xf32>
        %parallel_loop3A_555 = arith.addf %parallel_loop3A_554, %get3A_196 : vector<16xf32>
        %parallel_loop3A_556 = arith.constant 0 : i32
        %parallel_loop3A_557 = tpu.memref_slice %arg6[%parallel_loop3A_200, %parallel_loop3A_201, %parallel_loop3A_556] : memref<4x4x4096xf32, #tpu.memory_space<vmem>> -> memref<1x1x4096xf32, #tpu.memory_space<vmem>>
        %parallel_loop3A_558 = tpu.memref_squeeze %parallel_loop3A_557 : memref<1x1x4096xf32, #tpu.memory_space<vmem>> -> memref<4096xf32, #tpu.memory_space<vmem>>
        %parallel_loop3A_559 = arith.index_cast %parallel_loop3A_548 : i32 to index
        %parallel_loop3A_560 = tpu.vector_load %parallel_loop3A_558[%parallel_loop3A_559] {strides = array<i32>} : memref<4096xf32, #tpu.memory_space<vmem>>, vector<16xf32>,
        %parallel_loop3A_561 = vector.shape_cast %parallel_loop3A_560 : vector<16xf32> to vector<16xf32>
        %parallel_loop3A_562 = vector.shape_cast %parallel_loop3A_555 : vector<16xf32> to vector<16xf32>
        tpu.vector_store %parallel_loop3A_558[%parallel_loop3A_559], %parallel_loop3A_562 {strides = array<i32>} : memref<4096xf32, #tpu.memory_space<vmem>>, vector<16xf32>,
      } {sc.loop_unroll_factor = 8 : i64, sc.parallel_access}
      %mul3A_202 = arith.constant 4 : i32
      %mul3A_203 = arith.muli %add3A_156, %mul3A_202 : i32
      %add3A_204 = arith.constant 2 : i32
      %add3A_205 = arith.addi %mul3A_203, %add3A_204 : i32
      %mul3A_206 = arith.constant 16 : i32
      %mul3A_207 = arith.muli %add3A_205, %mul3A_206 : i32
      %get3A_208 = arith.index_cast %mul3A_207 : i32 to index
      %get3A_209 = tpu.vector_load %arg5[%get3A_208] {strides = array<i32>} : memref<1536xf32, #tpu.memory_space<vmem>>, vector<16xf32>,
      %get3A_210 = vector.shape_cast %get3A_209 : vector<16xf32> to vector<16xf32>
      %parallel_loop3A_211 = arith.constant 0 : i32
      %parallel_loop3A_212 = arith.constant 4096 : i32
      %parallel_loop3A_213 = arith.constant 16 : i32
      %parallel_loop3A_214 = arith.constant 0 : i32
      %parallel_loop3A_215 = arith.constant 2 : i32
      scf.for %parallel_loop3A_548 = %parallel_loop3A_211 to %parallel_loop3A_212 step %parallel_loop3A_213  : i32 {
        %parallel_loop3A_549 = arith.constant 0 : i32
        %parallel_loop3A_550 = tpu.memref_slice %arg6[%parallel_loop3A_214, %parallel_loop3A_215, %parallel_loop3A_549] : memref<4x4x4096xf32, #tpu.memory_space<vmem>> -> memref<1x1x4096xf32, #tpu.memory_space<vmem>>
        %parallel_loop3A_551 = tpu.memref_squeeze %parallel_loop3A_550 : memref<1x1x4096xf32, #tpu.memory_space<vmem>> -> memref<4096xf32, #tpu.memory_space<vmem>>
        %parallel_loop3A_552 = arith.index_cast %parallel_loop3A_548 : i32 to index
        %parallel_loop3A_553 = tpu.vector_load %parallel_loop3A_551[%parallel_loop3A_552] {strides = array<i32>} : memref<4096xf32, #tpu.memory_space<vmem>>, vector<16xf32>,
        %parallel_loop3A_554 = vector.shape_cast %parallel_loop3A_553 : vector<16xf32> to vector<16xf32>
        %parallel_loop3A_555 = arith.addf %parallel_loop3A_554, %get3A_210 : vector<16xf32>
        %parallel_loop3A_556 = arith.constant 0 : i32
        %parallel_loop3A_557 = tpu.memref_slice %arg6[%parallel_loop3A_214, %parallel_loop3A_215, %parallel_loop3A_556] : memref<4x4x4096xf32, #tpu.memory_space<vmem>> -> memref<1x1x4096xf32, #tpu.memory_space<vmem>>
        %parallel_loop3A_558 = tpu.memref_squeeze %parallel_loop3A_557 : memref<1x1x4096xf32, #tpu.memory_space<vmem>> -> memref<4096xf32, #tpu.memory_space<vmem>>
        %parallel_loop3A_559 = arith.index_cast %parallel_loop3A_548 : i32 to index
        %parallel_loop3A_560 = tpu.vector_load %parallel_loop3A_558[%parallel_loop3A_559] {strides = array<i32>} : memref<4096xf32, #tpu.memory_space<vmem>>, vector<16xf32>,
        %parallel_loop3A_561 = vector.shape_cast %parallel_loop3A_560 : vector<16xf32> to vector<16xf32>
        %parallel_loop3A_562 = vector.shape_cast %parallel_loop3A_555 : vector<16xf32> to vector<16xf32>
        tpu.vector_store %parallel_loop3A_558[%parallel_loop3A_559], %parallel_loop3A_562 {strides = array<i32>} : memref<4096xf32, #tpu.memory_space<vmem>>, vector<16xf32>,
      } {sc.loop_unroll_factor = 8 : i64, sc.parallel_access}
      %mul3A_216 = arith.constant 4 : i32
      %mul3A_217 = arith.muli %add3A_156, %mul3A_216 : i32
      %add3A_218 = arith.constant 3 : i32
      %add3A_219 = arith.addi %mul3A_217, %add3A_218 : i32
      %mul3A_220 = arith.constant 16 : i32
      %mul3A_221 = arith.muli %add3A_219, %mul3A_220 : i32
      %get3A_222 = arith.index_cast %mul3A_221 : i32 to index
      %get3A_223 = tpu.vector_load %arg5[%get3A_222] {strides = array<i32>} : memref<1536xf32, #tpu.memory_space<vmem>>, vector<16xf32>,
      %get3A_224 = vector.shape_cast %get3A_223 : vector<16xf32> to vector<16xf32>
      %parallel_loop3A_225 = arith.constant 0 : i32
      %parallel_loop3A_226 = arith.constant 4096 : i32
      %parallel_loop3A_227 = arith.constant 16 : i32
      %parallel_loop3A_228 = arith.constant 0 : i32
      %parallel_loop3A_229 = arith.constant 3 : i32
      scf.for %parallel_loop3A_548 = %parallel_loop3A_225 to %parallel_loop3A_226 step %parallel_loop3A_227  : i32 {
        %parallel_loop3A_549 = arith.constant 0 : i32
        %parallel_loop3A_550 = tpu.memref_slice %arg6[%parallel_loop3A_228, %parallel_loop3A_229, %parallel_loop3A_549] : memref<4x4x4096xf32, #tpu.memory_space<vmem>> -> memref<1x1x4096xf32, #tpu.memory_space<vmem>>
        %parallel_loop3A_551 = tpu.memref_squeeze %parallel_loop3A_550 : memref<1x1x4096xf32, #tpu.memory_space<vmem>> -> memref<4096xf32, #tpu.memory_space<vmem>>
        %parallel_loop3A_552 = arith.index_cast %parallel_loop3A_548 : i32 to index
        %parallel_loop3A_553 = tpu.vector_load %parallel_loop3A_551[%parallel_loop3A_552] {strides = array<i32>} : memref<4096xf32, #tpu.memory_space<vmem>>, vector<16xf32>,
        %parallel_loop3A_554 = vector.shape_cast %parallel_loop3A_553 : vector<16xf32> to vector<16xf32>
        %parallel_loop3A_555 = arith.addf %parallel_loop3A_554, %get3A_224 : vector<16xf32>
        %parallel_loop3A_556 = arith.constant 0 : i32
        %parallel_loop3A_557 = tpu.memref_slice %arg6[%parallel_loop3A_228, %parallel_loop3A_229, %parallel_loop3A_556] : memref<4x4x4096xf32, #tpu.memory_space<vmem>> -> memref<1x1x4096xf32, #tpu.memory_space<vmem>>
        %parallel_loop3A_558 = tpu.memref_squeeze %parallel_loop3A_557 : memref<1x1x4096xf32, #tpu.memory_space<vmem>> -> memref<4096xf32, #tpu.memory_space<vmem>>
        %parallel_loop3A_559 = arith.index_cast %parallel_loop3A_548 : i32 to index
        %parallel_loop3A_560 = tpu.vector_load %parallel_loop3A_558[%parallel_loop3A_559] {strides = array<i32>} : memref<4096xf32, #tpu.memory_space<vmem>>, vector<16xf32>,
        %parallel_loop3A_561 = vector.shape_cast %parallel_loop3A_560 : vector<16xf32> to vector<16xf32>
        %parallel_loop3A_562 = vector.shape_cast %parallel_loop3A_555 : vector<16xf32> to vector<16xf32>
        tpu.vector_store %parallel_loop3A_558[%parallel_loop3A_559], %parallel_loop3A_562 {strides = array<i32>} : memref<4096xf32, #tpu.memory_space<vmem>>, vector<16xf32>,
      } {sc.loop_unroll_factor = 8 : i64, sc.parallel_access}
      %dma_start3A_230 = arith.constant 0 : i32
      %dma_start3A_231 = arith.constant 0 : i32
      %dma_start3A_232 = arith.constant 0 : i32
      %dma_start3A_233 = arith.constant 0 : i32
      %dma_start3A_234 = tpu.memref_slice %arg6[%dma_start3A_230, %dma_start3A_232, %dma_start3A_233] : memref<4x4x4096xf32, #tpu.memory_space<vmem>> -> memref<1x4x4096xf32, #tpu.memory_space<vmem>>
      %dma_start3A_235 = tpu.memref_squeeze %dma_start3A_234 : memref<1x4x4096xf32, #tpu.memory_space<vmem>> -> memref<4x4096xf32, #tpu.memory_space<vmem>>
      %dma_start3A_236 = arith.constant 0 : i32
      %dma_start3A_237 = tpu.memref_slice %arg4[%add3A_159, %dma_start3A_236] : memref<12800x4096xf32, #tpu.memory_space<hbm>> -> memref<4x4096xf32, #tpu.memory_space<hbm>>
      %dma_start3A_238 = tpu.memref_slice %arg8[%dma_start3A_231] : memref<4x!tpu.dma_semaphore, #tpu.memory_space<semaphore_mem>> -> memref<1x!tpu.dma_semaphore, #tpu.memory_space<semaphore_mem>>
      %dma_start3A_239 = tpu.memref_squeeze %dma_start3A_238 : memref<1x!tpu.dma_semaphore, #tpu.memory_space<semaphore_mem>> -> memref<!tpu.dma_semaphore, #tpu.memory_space<semaphore_mem>>
      %dma_start3A_240 = arith.constant 0 : i32
      %dma_start3A_241 = tpu.memref_slice %arg4[%add3A_159, %dma_start3A_240] : memref<12800x4096xf32, #tpu.memory_space<hbm>> -> memref<4x4096xf32, #tpu.memory_space<hbm>>
      %dma_start3A_242 = arith.constant 0 : i32
      %dma_start3A_243 = arith.constant 0 : i32
      %dma_start3A_244 = tpu.memref_slice %arg6[%dma_start3A_230, %dma_start3A_242, %dma_start3A_243] : memref<4x4x4096xf32, #tpu.memory_space<vmem>> -> memref<1x4x4096xf32, #tpu.memory_space<vmem>>
      %dma_start3A_245 = tpu.memref_squeeze %dma_start3A_244 : memref<1x4x4096xf32, #tpu.memory_space<vmem>> -> memref<4x4096xf32, #tpu.memory_space<vmem>>
      tpu.enqueue_dma source(%dma_start3A_245 : memref<4x4096xf32, #tpu.memory_space<vmem>>) target(%dma_start3A_241 : memref<4x4096xf32, #tpu.memory_space<hbm>>) target_semaphore(%dma_start3A_239 : memref<!tpu.dma_semaphore, #tpu.memory_space<semaphore_mem>>)
      %lt3A = arith.constant 5 : i32
      %lt3A_246 = arith.cmpi slt, %scan3A_152, %lt3A : i32
      %convert_element_type3A = arith.extui %lt3A_246 : i1 to i32
      %cond3A = arith.constant 0 : i32
      %cond3A_247 = arith.cmpi ne, %convert_element_type3A, %cond3A : i32
      scf.if %cond3A_247 {
        %dma_wait3A_548 = arith.constant 0 : i32
        %dma_wait3A_549 = arith.constant 0 : i32
        %dma_wait3A_550 = arith.constant 0 : i32
        %dma_wait3A_551 = arith.constant 0 : i32
        %dma_wait3A_552 = tpu.memref_slice %arg6[%dma_wait3A_548, %dma_wait3A_550, %dma_wait3A_551] : memref<4x4x4096xf32, #tpu.memory_space<vmem>> -> memref<1x4x4096xf32, #tpu.memory_space<vmem>>
        %dma_wait3A_553 = tpu.memref_squeeze %dma_wait3A_552 : memref<1x4x4096xf32, #tpu.memory_space<vmem>> -> memref<4x4096xf32, #tpu.memory_space<vmem>>
        %dma_wait3A_554 = arith.constant 0 : i32
        %dma_wait3A_555 = tpu.memref_slice %arg4[%add3A_159, %dma_wait3A_554] : memref<12800x4096xf32, #tpu.memory_space<hbm>> -> memref<4x4096xf32, #tpu.memory_space<hbm>>
        %dma_wait3A_556 = tpu.memref_slice %arg8[%dma_wait3A_549] : memref<4x!tpu.dma_semaphore, #tpu.memory_space<semaphore_mem>> -> memref<1x!tpu.dma_semaphore, #tpu.memory_space<semaphore_mem>>
        %dma_wait3A_557 = tpu.memref_squeeze %dma_wait3A_556 : memref<1x!tpu.dma_semaphore, #tpu.memory_space<semaphore_mem>> -> memref<!tpu.dma_semaphore, #tpu.memory_space<semaphore_mem>>
        %dma_wait3A_558 = arith.constant 0 : i32
        %dma_wait3A_559 = tpu.memref_slice %arg4[%add3A_159, %dma_wait3A_558] : memref<12800x4096xf32, #tpu.memory_space<hbm>> -> memref<4x4096xf32, #tpu.memory_space<hbm>>
        %dma_wait3A_560 = arith.constant 0 : i32
        %dma_wait3A_561 = arith.constant 0 : i32
        %dma_wait3A_562 = tpu.memref_slice %arg6[%dma_wait3A_548, %dma_wait3A_560, %dma_wait3A_561] : memref<4x4x4096xf32, #tpu.memory_space<vmem>> -> memref<1x4x4096xf32, #tpu.memory_space<vmem>>
        %dma_wait3A_563 = tpu.memref_squeeze %dma_wait3A_562 : memref<1x4x4096xf32, #tpu.memory_space<vmem>> -> memref<4x4096xf32, #tpu.memory_space<vmem>>
        tpu.wait_dma2 semaphore(%dma_wait3A_557 : memref<!tpu.dma_semaphore, #tpu.memory_space<semaphore_mem>>) src(%dma_wait3A_563 : memref<4x4096xf32, #tpu.memory_space<vmem>>) dst(%dma_wait3A_559 : memref<4x4096xf32, #tpu.memory_space<hbm>>)
        %add3A_564 = arith.constant 16 : i32
        %add3A_565 = arith.addi %add3A_159, %add3A_564 : i32
        %dma_start3A_566 = arith.constant 0 : i32
        %dma_start3A_567 = arith.constant 0 : i32
        %dma_start3A_568 = arith.constant 0 : i32
        %dma_start3A_569 = arith.constant 0 : i32
        %dma_start3A_570 = tpu.memref_slice %arg6[%dma_start3A_566, %dma_start3A_568, %dma_start3A_569] : memref<4x4x4096xf32, #tpu.memory_space<vmem>> -> memref<1x4x4096xf32, #tpu.memory_space<vmem>>
        %dma_start3A_571 = tpu.memref_squeeze %dma_start3A_570 : memref<1x4x4096xf32, #tpu.memory_space<vmem>> -> memref<4x4096xf32, #tpu.memory_space<vmem>>
        %dma_start3A_572 = arith.constant 0 : i32
        %dma_start3A_573 = tpu.memref_slice %arg2[%add3A_565, %dma_start3A_572] : memref<12800x4096xf32, #tpu.memory_space<hbm>> -> memref<4x4096xf32, #tpu.memory_space<hbm>>
        %dma_start3A_574 = tpu.memref_slice %arg7[%dma_start3A_567] : memref<4x!tpu.dma_semaphore, #tpu.memory_space<semaphore_mem>> -> memref<1x!tpu.dma_semaphore, #tpu.memory_space<semaphore_mem>>
        %dma_start3A_575 = tpu.memref_squeeze %dma_start3A_574 : memref<1x!tpu.dma_semaphore, #tpu.memory_space<semaphore_mem>> -> memref<!tpu.dma_semaphore, #tpu.memory_space<semaphore_mem>>
        %dma_start3A_576 = arith.constant 0 : i32
        %dma_start3A_577 = arith.constant 0 : i32
        %dma_start3A_578 = tpu.memref_slice %arg6[%dma_start3A_566, %dma_start3A_576, %dma_start3A_577] : memref<4x4x4096xf32, #tpu.memory_space<vmem>> -> memref<1x4x4096xf32, #tpu.memory_space<vmem>>
        %dma_start3A_579 = tpu.memref_squeeze %dma_start3A_578 : memref<1x4x4096xf32, #tpu.memory_space<vmem>> -> memref<4x4096xf32, #tpu.memory_space<vmem>>
        %dma_start3A_580 = arith.constant 0 : i32
        %dma_start3A_581 = tpu.memref_slice %arg2[%add3A_565, %dma_start3A_580] : memref<12800x4096xf32, #tpu.memory_space<hbm>> -> memref<4x4096xf32, #tpu.memory_space<hbm>>
        tpu.enqueue_dma source(%dma_start3A_581 : memref<4x4096xf32, #tpu.memory_space<hbm>>) target(%dma_start3A_579 : memref<4x4096xf32, #tpu.memory_space<vmem>>) target_semaphore(%dma_start3A_575 : memref<!tpu.dma_semaphore, #tpu.memory_space<semaphore_mem>>)
      } else {
      }
      %mul3A_248 = arith.constant 4 : i32
      %mul3A_249 = arith.muli %scan3A_152, %mul3A_248 : i32
      %add3A_250 = arith.constant 1 : i32
      %add3A_251 = arith.addi %mul3A_249, %add3A_250 : i32
      %mul3A_252 = arith.constant 4 : i32
      %mul3A_253 = arith.muli %add3A_251, %mul3A_252 : i32
      %add3A_254 = arith.addi %mul3A_2, %mul3A_253 : i32
      %dma_wait3A_255 = arith.constant 1 : i32
      %dma_wait3A_256 = arith.constant 1 : i32
      %dma_wait3A_257 = arith.constant 0 : i32
      %dma_wait3A_258 = arith.constant 0 : i32
      %dma_wait3A_259 = tpu.memref_slice %arg6[%dma_wait3A_255, %dma_wait3A_257, %dma_wait3A_258] : memref<4x4x4096xf32, #tpu.memory_space<vmem>> -> memref<1x4x4096xf32, #tpu.memory_space<vmem>>
      %dma_wait3A_260 = tpu.memref_squeeze %dma_wait3A_259 : memref<1x4x4096xf32, #tpu.memory_space<vmem>> -> memref<4x4096xf32, #tpu.memory_space<vmem>>
      %dma_wait3A_261 = arith.constant 0 : i32
      %dma_wait3A_262 = tpu.memref_slice %arg2[%add3A_254, %dma_wait3A_261] : memref<12800x4096xf32, #tpu.memory_space<hbm>> -> memref<4x4096xf32, #tpu.memory_space<hbm>>
      %dma_wait3A_263 = tpu.memref_slice %arg7[%dma_wait3A_256] : memref<4x!tpu.dma_semaphore, #tpu.memory_space<semaphore_mem>> -> memref<1x!tpu.dma_semaphore, #tpu.memory_space<semaphore_mem>>
      %dma_wait3A_264 = tpu.memref_squeeze %dma_wait3A_263 : memref<1x!tpu.dma_semaphore, #tpu.memory_space<semaphore_mem>> -> memref<!tpu.dma_semaphore, #tpu.memory_space<semaphore_mem>>
      %dma_wait3A_265 = arith.constant 0 : i32
      %dma_wait3A_266 = arith.constant 0 : i32
      %dma_wait3A_267 = tpu.memref_slice %arg6[%dma_wait3A_255, %dma_wait3A_265, %dma_wait3A_266] : memref<4x4x4096xf32, #tpu.memory_space<vmem>> -> memref<1x4x4096xf32, #tpu.memory_space<vmem>>
      %dma_wait3A_268 = tpu.memref_squeeze %dma_wait3A_267 : memref<1x4x4096xf32, #tpu.memory_space<vmem>> -> memref<4x4096xf32, #tpu.memory_space<vmem>>
      %dma_wait3A_269 = arith.constant 0 : i32
      %dma_wait3A_270 = tpu.memref_slice %arg2[%add3A_254, %dma_wait3A_269] : memref<12800x4096xf32, #tpu.memory_space<hbm>> -> memref<4x4096xf32, #tpu.memory_space<hbm>>
      tpu.wait_dma2 semaphore(%dma_wait3A_264 : memref<!tpu.dma_semaphore, #tpu.memory_space<semaphore_mem>>) src(%dma_wait3A_270 : memref<4x4096xf32, #tpu.memory_space<hbm>>) dst(%dma_wait3A_268 : memref<4x4096xf32, #tpu.memory_space<vmem>>)
      %mul3A_271 = arith.constant 4 : i32
      %mul3A_272 = arith.muli %add3A_251, %mul3A_271 : i32
      %add3A_273 = arith.constant 0 : i32
      %add3A_274 = arith.addi %mul3A_272, %add3A_273 : i32
      %mul3A_275 = arith.constant 16 : i32
      %mul3A_276 = arith.muli %add3A_274, %mul3A_275 : i32
      %get3A_277 = arith.index_cast %mul3A_276 : i32 to index
      %get3A_278 = tpu.vector_load %arg5[%get3A_277] {strides = array<i32>} : memref<1536xf32, #tpu.memory_space<vmem>>, vector<16xf32>,
      %get3A_279 = vector.shape_cast %get3A_278 : vector<16xf32> to vector<16xf32>
      %parallel_loop3A_280 = arith.constant 0 : i32
      %parallel_loop3A_281 = arith.constant 4096 : i32
      %parallel_loop3A_282 = arith.constant 16 : i32
      %parallel_loop3A_283 = arith.constant 1 : i32
      %parallel_loop3A_284 = arith.constant 0 : i32
      scf.for %parallel_loop3A_548 = %parallel_loop3A_280 to %parallel_loop3A_281 step %parallel_loop3A_282  : i32 {
        %parallel_loop3A_549 = arith.constant 0 : i32
        %parallel_loop3A_550 = tpu.memref_slice %arg6[%parallel_loop3A_283, %parallel_loop3A_284, %parallel_loop3A_549] : memref<4x4x4096xf32, #tpu.memory_space<vmem>> -> memref<1x1x4096xf32, #tpu.memory_space<vmem>>
        %parallel_loop3A_551 = tpu.memref_squeeze %parallel_loop3A_550 : memref<1x1x4096xf32, #tpu.memory_space<vmem>> -> memref<4096xf32, #tpu.memory_space<vmem>>
        %parallel_loop3A_552 = arith.index_cast %parallel_loop3A_548 : i32 to index
        %parallel_loop3A_553 = tpu.vector_load %parallel_loop3A_551[%parallel_loop3A_552] {strides = array<i32>} : memref<4096xf32, #tpu.memory_space<vmem>>, vector<16xf32>,
        %parallel_loop3A_554 = vector.shape_cast %parallel_loop3A_553 : vector<16xf32> to vector<16xf32>
        %parallel_loop3A_555 = arith.addf %parallel_loop3A_554, %get3A_279 : vector<16xf32>
        %parallel_loop3A_556 = arith.constant 0 : i32
        %parallel_loop3A_557 = tpu.memref_slice %arg6[%parallel_loop3A_283, %parallel_loop3A_284, %parallel_loop3A_556] : memref<4x4x4096xf32, #tpu.memory_space<vmem>> -> memref<1x1x4096xf32, #tpu.memory_space<vmem>>
        %parallel_loop3A_558 = tpu.memref_squeeze %parallel_loop3A_557 : memref<1x1x4096xf32, #tpu.memory_space<vmem>> -> memref<4096xf32, #tpu.memory_space<vmem>>
        %parallel_loop3A_559 = arith.index_cast %parallel_loop3A_548 : i32 to index
        %parallel_loop3A_560 = tpu.vector_load %parallel_loop3A_558[%parallel_loop3A_559] {strides = array<i32>} : memref<4096xf32, #tpu.memory_space<vmem>>, vector<16xf32>,
        %parallel_loop3A_561 = vector.shape_cast %parallel_loop3A_560 : vector<16xf32> to vector<16xf32>
        %parallel_loop3A_562 = vector.shape_cast %parallel_loop3A_555 : vector<16xf32> to vector<16xf32>
        tpu.vector_store %parallel_loop3A_558[%parallel_loop3A_559], %parallel_loop3A_562 {strides = array<i32>} : memref<4096xf32, #tpu.memory_space<vmem>>, vector<16xf32>,
      } {sc.loop_unroll_factor = 8 : i64, sc.parallel_access}
      %mul3A_285 = arith.constant 4 : i32
      %mul3A_286 = arith.muli %add3A_251, %mul3A_285 : i32
      %add3A_287 = arith.constant 1 : i32
      %add3A_288 = arith.addi %mul3A_286, %add3A_287 : i32
      %mul3A_289 = arith.constant 16 : i32
      %mul3A_290 = arith.muli %add3A_288, %mul3A_289 : i32
      %get3A_291 = arith.index_cast %mul3A_290 : i32 to index
      %get3A_292 = tpu.vector_load %arg5[%get3A_291] {strides = array<i32>} : memref<1536xf32, #tpu.memory_space<vmem>>, vector<16xf32>,
      %get3A_293 = vector.shape_cast %get3A_292 : vector<16xf32> to vector<16xf32>
      %parallel_loop3A_294 = arith.constant 0 : i32
      %parallel_loop3A_295 = arith.constant 4096 : i32
      %parallel_loop3A_296 = arith.constant 16 : i32
      %parallel_loop3A_297 = arith.constant 1 : i32
      %parallel_loop3A_298 = arith.constant 1 : i32
      scf.for %parallel_loop3A_548 = %parallel_loop3A_294 to %parallel_loop3A_295 step %parallel_loop3A_296  : i32 {
        %parallel_loop3A_549 = arith.constant 0 : i32
        %parallel_loop3A_550 = tpu.memref_slice %arg6[%parallel_loop3A_297, %parallel_loop3A_298, %parallel_loop3A_549] : memref<4x4x4096xf32, #tpu.memory_space<vmem>> -> memref<1x1x4096xf32, #tpu.memory_space<vmem>>
        %parallel_loop3A_551 = tpu.memref_squeeze %parallel_loop3A_550 : memref<1x1x4096xf32, #tpu.memory_space<vmem>> -> memref<4096xf32, #tpu.memory_space<vmem>>
        %parallel_loop3A_552 = arith.index_cast %parallel_loop3A_548 : i32 to index
        %parallel_loop3A_553 = tpu.vector_load %parallel_loop3A_551[%parallel_loop3A_552] {strides = array<i32>} : memref<4096xf32, #tpu.memory_space<vmem>>, vector<16xf32>,
        %parallel_loop3A_554 = vector.shape_cast %parallel_loop3A_553 : vector<16xf32> to vector<16xf32>
        %parallel_loop3A_555 = arith.addf %parallel_loop3A_554, %get3A_293 : vector<16xf32>
        %parallel_loop3A_556 = arith.constant 0 : i32
        %parallel_loop3A_557 = tpu.memref_slice %arg6[%parallel_loop3A_297, %parallel_loop3A_298, %parallel_loop3A_556] : memref<4x4x4096xf32, #tpu.memory_space<vmem>> -> memref<1x1x4096xf32, #tpu.memory_space<vmem>>
        %parallel_loop3A_558 = tpu.memref_squeeze %parallel_loop3A_557 : memref<1x1x4096xf32, #tpu.memory_space<vmem>> -> memref<4096xf32, #tpu.memory_space<vmem>>
        %parallel_loop3A_559 = arith.index_cast %parallel_loop3A_548 : i32 to index
        %parallel_loop3A_560 = tpu.vector_load %parallel_loop3A_558[%parallel_loop3A_559] {strides = array<i32>} : memref<4096xf32, #tpu.memory_space<vmem>>, vector<16xf32>,
        %parallel_loop3A_561 = vector.shape_cast %parallel_loop3A_560 : vector<16xf32> to vector<16xf32>
        %parallel_loop3A_562 = vector.shape_cast %parallel_loop3A_555 : vector<16xf32> to vector<16xf32>
        tpu.vector_store %parallel_loop3A_558[%parallel_loop3A_559], %parallel_loop3A_562 {strides = array<i32>} : memref<4096xf32, #tpu.memory_space<vmem>>, vector<16xf32>,
      } {sc.loop_unroll_factor = 8 : i64, sc.parallel_access}
      %mul3A_299 = arith.constant 4 : i32
      %mul3A_300 = arith.muli %add3A_251, %mul3A_299 : i32
      %add3A_301 = arith.constant 2 : i32
      %add3A_302 = arith.addi %mul3A_300, %add3A_301 : i32
      %mul3A_303 = arith.constant 16 : i32
      %mul3A_304 = arith.muli %add3A_302, %mul3A_303 : i32
      %get3A_305 = arith.index_cast %mul3A_304 : i32 to index
      %get3A_306 = tpu.vector_load %arg5[%get3A_305] {strides = array<i32>} : memref<1536xf32, #tpu.memory_space<vmem>>, vector<16xf32>,
      %get3A_307 = vector.shape_cast %get3A_306 : vector<16xf32> to vector<16xf32>
      %parallel_loop3A_308 = arith.constant 0 : i32
      %parallel_loop3A_309 = arith.constant 4096 : i32
      %parallel_loop3A_310 = arith.constant 16 : i32
      %parallel_loop3A_311 = arith.constant 1 : i32
      %parallel_loop3A_312 = arith.constant 2 : i32
      scf.for %parallel_loop3A_548 = %parallel_loop3A_308 to %parallel_loop3A_309 step %parallel_loop3A_310  : i32 {
        %parallel_loop3A_549 = arith.constant 0 : i32
        %parallel_loop3A_550 = tpu.memref_slice %arg6[%parallel_loop3A_311, %parallel_loop3A_312, %parallel_loop3A_549] : memref<4x4x4096xf32, #tpu.memory_space<vmem>> -> memref<1x1x4096xf32, #tpu.memory_space<vmem>>
        %parallel_loop3A_551 = tpu.memref_squeeze %parallel_loop3A_550 : memref<1x1x4096xf32, #tpu.memory_space<vmem>> -> memref<4096xf32, #tpu.memory_space<vmem>>
        %parallel_loop3A_552 = arith.index_cast %parallel_loop3A_548 : i32 to index
        %parallel_loop3A_553 = tpu.vector_load %parallel_loop3A_551[%parallel_loop3A_552] {strides = array<i32>} : memref<4096xf32, #tpu.memory_space<vmem>>, vector<16xf32>,
        %parallel_loop3A_554 = vector.shape_cast %parallel_loop3A_553 : vector<16xf32> to vector<16xf32>
        %parallel_loop3A_555 = arith.addf %parallel_loop3A_554, %get3A_307 : vector<16xf32>
        %parallel_loop3A_556 = arith.constant 0 : i32
        %parallel_loop3A_557 = tpu.memref_slice %arg6[%parallel_loop3A_311, %parallel_loop3A_312, %parallel_loop3A_556] : memref<4x4x4096xf32, #tpu.memory_space<vmem>> -> memref<1x1x4096xf32, #tpu.memory_space<vmem>>
        %parallel_loop3A_558 = tpu.memref_squeeze %parallel_loop3A_557 : memref<1x1x4096xf32, #tpu.memory_space<vmem>> -> memref<4096xf32, #tpu.memory_space<vmem>>
        %parallel_loop3A_559 = arith.index_cast %parallel_loop3A_548 : i32 to index
        %parallel_loop3A_560 = tpu.vector_load %parallel_loop3A_558[%parallel_loop3A_559] {strides = array<i32>} : memref<4096xf32, #tpu.memory_space<vmem>>, vector<16xf32>,
        %parallel_loop3A_561 = vector.shape_cast %parallel_loop3A_560 : vector<16xf32> to vector<16xf32>
        %parallel_loop3A_562 = vector.shape_cast %parallel_loop3A_555 : vector<16xf32> to vector<16xf32>
        tpu.vector_store %parallel_loop3A_558[%parallel_loop3A_559], %parallel_loop3A_562 {strides = array<i32>} : memref<4096xf32, #tpu.memory_space<vmem>>, vector<16xf32>,
      } {sc.loop_unroll_factor = 8 : i64, sc.parallel_access}
      %mul3A_313 = arith.constant 4 : i32
      %mul3A_314 = arith.muli %add3A_251, %mul3A_313 : i32
      %add3A_315 = arith.constant 3 : i32
      %add3A_316 = arith.addi %mul3A_314, %add3A_315 : i32
      %mul3A_317 = arith.constant 16 : i32
      %mul3A_318 = arith.muli %add3A_316, %mul3A_317 : i32
      %get3A_319 = arith.index_cast %mul3A_318 : i32 to index
      %get3A_320 = tpu.vector_load %arg5[%get3A_319] {strides = array<i32>} : memref<1536xf32, #tpu.memory_space<vmem>>, vector<16xf32>,
      %get3A_321 = vector.shape_cast %get3A_320 : vector<16xf32> to vector<16xf32>
      %parallel_loop3A_322 = arith.constant 0 : i32
      %parallel_loop3A_323 = arith.constant 4096 : i32
      %parallel_loop3A_324 = arith.constant 16 : i32
      %parallel_loop3A_325 = arith.constant 1 : i32
      %parallel_loop3A_326 = arith.constant 3 : i32
      scf.for %parallel_loop3A_548 = %parallel_loop3A_322 to %parallel_loop3A_323 step %parallel_loop3A_324  : i32 {
        %parallel_loop3A_549 = arith.constant 0 : i32
        %parallel_loop3A_550 = tpu.memref_slice %arg6[%parallel_loop3A_325, %parallel_loop3A_326, %parallel_loop3A_549] : memref<4x4x4096xf32, #tpu.memory_space<vmem>> -> memref<1x1x4096xf32, #tpu.memory_space<vmem>>
        %parallel_loop3A_551 = tpu.memref_squeeze %parallel_loop3A_550 : memref<1x1x4096xf32, #tpu.memory_space<vmem>> -> memref<4096xf32, #tpu.memory_space<vmem>>
        %parallel_loop3A_552 = arith.index_cast %parallel_loop3A_548 : i32 to index
        %parallel_loop3A_553 = tpu.vector_load %parallel_loop3A_551[%parallel_loop3A_552] {strides = array<i32>} : memref<4096xf32, #tpu.memory_space<vmem>>, vector<16xf32>,
        %parallel_loop3A_554 = vector.shape_cast %parallel_loop3A_553 : vector<16xf32> to vector<16xf32>
        %parallel_loop3A_555 = arith.addf %parallel_loop3A_554, %get3A_321 : vector<16xf32>
        %parallel_loop3A_556 = arith.constant 0 : i32
        %parallel_loop3A_557 = tpu.memref_slice %arg6[%parallel_loop3A_325, %parallel_loop3A_326, %parallel_loop3A_556] : memref<4x4x4096xf32, #tpu.memory_space<vmem>> -> memref<1x1x4096xf32, #tpu.memory_space<vmem>>
        %parallel_loop3A_558 = tpu.memref_squeeze %parallel_loop3A_557 : memref<1x1x4096xf32, #tpu.memory_space<vmem>> -> memref<4096xf32, #tpu.memory_space<vmem>>
        %parallel_loop3A_559 = arith.index_cast %parallel_loop3A_548 : i32 to index
        %parallel_loop3A_560 = tpu.vector_load %parallel_loop3A_558[%parallel_loop3A_559] {strides = array<i32>} : memref<4096xf32, #tpu.memory_space<vmem>>, vector<16xf32>,
        %parallel_loop3A_561 = vector.shape_cast %parallel_loop3A_560 : vector<16xf32> to vector<16xf32>
        %parallel_loop3A_562 = vector.shape_cast %parallel_loop3A_555 : vector<16xf32> to vector<16xf32>
        tpu.vector_store %parallel_loop3A_558[%parallel_loop3A_559], %parallel_loop3A_562 {strides = array<i32>} : memref<4096xf32, #tpu.memory_space<vmem>>, vector<16xf32>,
      } {sc.loop_unroll_factor = 8 : i64, sc.parallel_access}
      %dma_start3A_327 = arith.constant 1 : i32
      %dma_start3A_328 = arith.constant 1 : i32
      %dma_start3A_329 = arith.constant 0 : i32
      %dma_start3A_330 = arith.constant 0 : i32
      %dma_start3A_331 = tpu.memref_slice %arg6[%dma_start3A_327, %dma_start3A_329, %dma_start3A_330] : memref<4x4x4096xf32, #tpu.memory_space<vmem>> -> memref<1x4x4096xf32, #tpu.memory_space<vmem>>
      %dma_start3A_332 = tpu.memref_squeeze %dma_start3A_331 : memref<1x4x4096xf32, #tpu.memory_space<vmem>> -> memref<4x4096xf32, #tpu.memory_space<vmem>>
      %dma_start3A_333 = arith.constant 0 : i32
      %dma_start3A_334 = tpu.memref_slice %arg4[%add3A_254, %dma_start3A_333] : memref<12800x4096xf32, #tpu.memory_space<hbm>> -> memref<4x4096xf32, #tpu.memory_space<hbm>>
      %dma_start3A_335 = tpu.memref_slice %arg8[%dma_start3A_328] : memref<4x!tpu.dma_semaphore, #tpu.memory_space<semaphore_mem>> -> memref<1x!tpu.dma_semaphore, #tpu.memory_space<semaphore_mem>>
      %dma_start3A_336 = tpu.memref_squeeze %dma_start3A_335 : memref<1x!tpu.dma_semaphore, #tpu.memory_space<semaphore_mem>> -> memref<!tpu.dma_semaphore, #tpu.memory_space<semaphore_mem>>
      %dma_start3A_337 = arith.constant 0 : i32
      %dma_start3A_338 = tpu.memref_slice %arg4[%add3A_254, %dma_start3A_337] : memref<12800x4096xf32, #tpu.memory_space<hbm>> -> memref<4x4096xf32, #tpu.memory_space<hbm>>
      %dma_start3A_339 = arith.constant 0 : i32
      %dma_start3A_340 = arith.constant 0 : i32
      %dma_start3A_341 = tpu.memref_slice %arg6[%dma_start3A_327, %dma_start3A_339, %dma_start3A_340] : memref<4x4x4096xf32, #tpu.memory_space<vmem>> -> memref<1x4x4096xf32, #tpu.memory_space<vmem>>
      %dma_start3A_342 = tpu.memref_squeeze %dma_start3A_341 : memref<1x4x4096xf32, #tpu.memory_space<vmem>> -> memref<4x4096xf32, #tpu.memory_space<vmem>>
      tpu.enqueue_dma source(%dma_start3A_342 : memref<4x4096xf32, #tpu.memory_space<vmem>>) target(%dma_start3A_338 : memref<4x4096xf32, #tpu.memory_space<hbm>>) target_semaphore(%dma_start3A_336 : memref<!tpu.dma_semaphore, #tpu.memory_space<semaphore_mem>>)
      %lt3A_343 = arith.constant 5 : i32
      %lt3A_344 = arith.cmpi slt, %scan3A_152, %lt3A_343 : i32
      %convert_element_type3A_345 = arith.extui %lt3A_344 : i1 to i32
      %cond3A_346 = arith.constant 0 : i32
      %cond3A_347 = arith.cmpi ne, %convert_element_type3A_345, %cond3A_346 : i32
      scf.if %cond3A_347 {
        %dma_wait3A_548 = arith.constant 1 : i32
        %dma_wait3A_549 = arith.constant 1 : i32
        %dma_wait3A_550 = arith.constant 0 : i32
        %dma_wait3A_551 = arith.constant 0 : i32
        %dma_wait3A_552 = tpu.memref_slice %arg6[%dma_wait3A_548, %dma_wait3A_550, %dma_wait3A_551] : memref<4x4x4096xf32, #tpu.memory_space<vmem>> -> memref<1x4x4096xf32, #tpu.memory_space<vmem>>
        %dma_wait3A_553 = tpu.memref_squeeze %dma_wait3A_552 : memref<1x4x4096xf32, #tpu.memory_space<vmem>> -> memref<4x4096xf32, #tpu.memory_space<vmem>>
        %dma_wait3A_554 = arith.constant 0 : i32
        %dma_wait3A_555 = tpu.memref_slice %arg4[%add3A_254, %dma_wait3A_554] : memref<12800x4096xf32, #tpu.memory_space<hbm>> -> memref<4x4096xf32, #tpu.memory_space<hbm>>
        %dma_wait3A_556 = tpu.memref_slice %arg8[%dma_wait3A_549] : memref<4x!tpu.dma_semaphore, #tpu.memory_space<semaphore_mem>> -> memref<1x!tpu.dma_semaphore, #tpu.memory_space<semaphore_mem>>
        %dma_wait3A_557 = tpu.memref_squeeze %dma_wait3A_556 : memref<1x!tpu.dma_semaphore, #tpu.memory_space<semaphore_mem>> -> memref<!tpu.dma_semaphore, #tpu.memory_space<semaphore_mem>>
        %dma_wait3A_558 = arith.constant 0 : i32
        %dma_wait3A_559 = tpu.memref_slice %arg4[%add3A_254, %dma_wait3A_558] : memref<12800x4096xf32, #tpu.memory_space<hbm>> -> memref<4x4096xf32, #tpu.memory_space<hbm>>
        %dma_wait3A_560 = arith.constant 0 : i32
        %dma_wait3A_561 = arith.constant 0 : i32
        %dma_wait3A_562 = tpu.memref_slice %arg6[%dma_wait3A_548, %dma_wait3A_560, %dma_wait3A_561] : memref<4x4x4096xf32, #tpu.memory_space<vmem>> -> memref<1x4x4096xf32, #tpu.memory_space<vmem>>
        %dma_wait3A_563 = tpu.memref_squeeze %dma_wait3A_562 : memref<1x4x4096xf32, #tpu.memory_space<vmem>> -> memref<4x4096xf32, #tpu.memory_space<vmem>>
        tpu.wait_dma2 semaphore(%dma_wait3A_557 : memref<!tpu.dma_semaphore, #tpu.memory_space<semaphore_mem>>) src(%dma_wait3A_563 : memref<4x4096xf32, #tpu.memory_space<vmem>>) dst(%dma_wait3A_559 : memref<4x4096xf32, #tpu.memory_space<hbm>>)
        %add3A_564 = arith.constant 16 : i32
        %add3A_565 = arith.addi %add3A_254, %add3A_564 : i32
        %dma_start3A_566 = arith.constant 1 : i32
        %dma_start3A_567 = arith.constant 1 : i32
        %dma_start3A_568 = arith.constant 0 : i32
        %dma_start3A_569 = arith.constant 0 : i32
        %dma_start3A_570 = tpu.memref_slice %arg6[%dma_start3A_566, %dma_start3A_568, %dma_start3A_569] : memref<4x4x4096xf32, #tpu.memory_space<vmem>> -> memref<1x4x4096xf32, #tpu.memory_space<vmem>>
        %dma_start3A_571 = tpu.memref_squeeze %dma_start3A_570 : memref<1x4x4096xf32, #tpu.memory_space<vmem>> -> memref<4x4096xf32, #tpu.memory_space<vmem>>
        %dma_start3A_572 = arith.constant 0 : i32
        %dma_start3A_573 = tpu.memref_slice %arg2[%add3A_565, %dma_start3A_572] : memref<12800x4096xf32, #tpu.memory_space<hbm>> -> memref<4x4096xf32, #tpu.memory_space<hbm>>
        %dma_start3A_574 = tpu.memref_slice %arg7[%dma_start3A_567] : memref<4x!tpu.dma_semaphore, #tpu.memory_space<semaphore_mem>> -> memref<1x!tpu.dma_semaphore, #tpu.memory_space<semaphore_mem>>
        %dma_start3A_575 = tpu.memref_squeeze %dma_start3A_574 : memref<1x!tpu.dma_semaphore, #tpu.memory_space<semaphore_mem>> -> memref<!tpu.dma_semaphore, #tpu.memory_space<semaphore_mem>>
        %dma_start3A_576 = arith.constant 0 : i32
        %dma_start3A_577 = arith.constant 0 : i32
        %dma_start3A_578 = tpu.memref_slice %arg6[%dma_start3A_566, %dma_start3A_576, %dma_start3A_577] : memref<4x4x4096xf32, #tpu.memory_space<vmem>> -> memref<1x4x4096xf32, #tpu.memory_space<vmem>>
        %dma_start3A_579 = tpu.memref_squeeze %dma_start3A_578 : memref<1x4x4096xf32, #tpu.memory_space<vmem>> -> memref<4x4096xf32, #tpu.memory_space<vmem>>
        %dma_start3A_580 = arith.constant 0 : i32
        %dma_start3A_581 = tpu.memref_slice %arg2[%add3A_565, %dma_start3A_580] : memref<12800x4096xf32, #tpu.memory_space<hbm>> -> memref<4x4096xf32, #tpu.memory_space<hbm>>
        tpu.enqueue_dma source(%dma_start3A_581 : memref<4x4096xf32, #tpu.memory_space<hbm>>) target(%dma_start3A_579 : memref<4x4096xf32, #tpu.memory_space<vmem>>) target_semaphore(%dma_start3A_575 : memref<!tpu.dma_semaphore, #tpu.memory_space<semaphore_mem>>)
      } else {
      }
      %mul3A_348 = arith.constant 4 : i32
      %mul3A_349 = arith.muli %scan3A_152, %mul3A_348 : i32
      %add3A_350 = arith.constant 2 : i32
      %add3A_351 = arith.addi %mul3A_349, %add3A_350 : i32
      %mul3A_352 = arith.constant 4 : i32
      %mul3A_353 = arith.muli %add3A_351, %mul3A_352 : i32
      %add3A_354 = arith.addi %mul3A_2, %mul3A_353 : i32
      %dma_wait3A_355 = arith.constant 2 : i32
      %dma_wait3A_356 = arith.constant 2 : i32
      %dma_wait3A_357 = arith.constant 0 : i32
      %dma_wait3A_358 = arith.constant 0 : i32
      %dma_wait3A_359 = tpu.memref_slice %arg6[%dma_wait3A_355, %dma_wait3A_357, %dma_wait3A_358] : memref<4x4x4096xf32, #tpu.memory_space<vmem>> -> memref<1x4x4096xf32, #tpu.memory_space<vmem>>
      %dma_wait3A_360 = tpu.memref_squeeze %dma_wait3A_359 : memref<1x4x4096xf32, #tpu.memory_space<vmem>> -> memref<4x4096xf32, #tpu.memory_space<vmem>>
      %dma_wait3A_361 = arith.constant 0 : i32
      %dma_wait3A_362 = tpu.memref_slice %arg2[%add3A_354, %dma_wait3A_361] : memref<12800x4096xf32, #tpu.memory_space<hbm>> -> memref<4x4096xf32, #tpu.memory_space<hbm>>
      %dma_wait3A_363 = tpu.memref_slice %arg7[%dma_wait3A_356] : memref<4x!tpu.dma_semaphore, #tpu.memory_space<semaphore_mem>> -> memref<1x!tpu.dma_semaphore, #tpu.memory_space<semaphore_mem>>
      %dma_wait3A_364 = tpu.memref_squeeze %dma_wait3A_363 : memref<1x!tpu.dma_semaphore, #tpu.memory_space<semaphore_mem>> -> memref<!tpu.dma_semaphore, #tpu.memory_space<semaphore_mem>>
      %dma_wait3A_365 = arith.constant 0 : i32
      %dma_wait3A_366 = arith.constant 0 : i32
      %dma_wait3A_367 = tpu.memref_slice %arg6[%dma_wait3A_355, %dma_wait3A_365, %dma_wait3A_366] : memref<4x4x4096xf32, #tpu.memory_space<vmem>> -> memref<1x4x4096xf32, #tpu.memory_space<vmem>>
      %dma_wait3A_368 = tpu.memref_squeeze %dma_wait3A_367 : memref<1x4x4096xf32, #tpu.memory_space<vmem>> -> memref<4x4096xf32, #tpu.memory_space<vmem>>
      %dma_wait3A_369 = arith.constant 0 : i32
      %dma_wait3A_370 = tpu.memref_slice %arg2[%add3A_354, %dma_wait3A_369] : memref<12800x4096xf32, #tpu.memory_space<hbm>> -> memref<4x4096xf32, #tpu.memory_space<hbm>>
      tpu.wait_dma2 semaphore(%dma_wait3A_364 : memref<!tpu.dma_semaphore, #tpu.memory_space<semaphore_mem>>) src(%dma_wait3A_370 : memref<4x4096xf32, #tpu.memory_space<hbm>>) dst(%dma_wait3A_368 : memref<4x4096xf32, #tpu.memory_space<vmem>>)
      %mul3A_371 = arith.constant 4 : i32
      %mul3A_372 = arith.muli %add3A_351, %mul3A_371 : i32
      %add3A_373 = arith.constant 0 : i32
      %add3A_374 = arith.addi %mul3A_372, %add3A_373 : i32
      %mul3A_375 = arith.constant 16 : i32
      %mul3A_376 = arith.muli %add3A_374, %mul3A_375 : i32
      %get3A_377 = arith.index_cast %mul3A_376 : i32 to index
      %get3A_378 = tpu.vector_load %arg5[%get3A_377] {strides = array<i32>} : memref<1536xf32, #tpu.memory_space<vmem>>, vector<16xf32>,
      %get3A_379 = vector.shape_cast %get3A_378 : vector<16xf32> to vector<16xf32>
      %parallel_loop3A_380 = arith.constant 0 : i32
      %parallel_loop3A_381 = arith.constant 4096 : i32
      %parallel_loop3A_382 = arith.constant 16 : i32
      %parallel_loop3A_383 = arith.constant 2 : i32
      %parallel_loop3A_384 = arith.constant 0 : i32
      scf.for %parallel_loop3A_548 = %parallel_loop3A_380 to %parallel_loop3A_381 step %parallel_loop3A_382  : i32 {
        %parallel_loop3A_549 = arith.constant 0 : i32
        %parallel_loop3A_550 = tpu.memref_slice %arg6[%parallel_loop3A_383, %parallel_loop3A_384, %parallel_loop3A_549] : memref<4x4x4096xf32, #tpu.memory_space<vmem>> -> memref<1x1x4096xf32, #tpu.memory_space<vmem>>
        %parallel_loop3A_551 = tpu.memref_squeeze %parallel_loop3A_550 : memref<1x1x4096xf32, #tpu.memory_space<vmem>> -> memref<4096xf32, #tpu.memory_space<vmem>>
        %parallel_loop3A_552 = arith.index_cast %parallel_loop3A_548 : i32 to index
        %parallel_loop3A_553 = tpu.vector_load %parallel_loop3A_551[%parallel_loop3A_552] {strides = array<i32>} : memref<4096xf32, #tpu.memory_space<vmem>>, vector<16xf32>,
        %parallel_loop3A_554 = vector.shape_cast %parallel_loop3A_553 : vector<16xf32> to vector<16xf32>
        %parallel_loop3A_555 = arith.addf %parallel_loop3A_554, %get3A_379 : vector<16xf32>
        %parallel_loop3A_556 = arith.constant 0 : i32
        %parallel_loop3A_557 = tpu.memref_slice %arg6[%parallel_loop3A_383, %parallel_loop3A_384, %parallel_loop3A_556] : memref<4x4x4096xf32, #tpu.memory_space<vmem>> -> memref<1x1x4096xf32, #tpu.memory_space<vmem>>
        %parallel_loop3A_558 = tpu.memref_squeeze %parallel_loop3A_557 : memref<1x1x4096xf32, #tpu.memory_space<vmem>> -> memref<4096xf32, #tpu.memory_space<vmem>>
        %parallel_loop3A_559 = arith.index_cast %parallel_loop3A_548 : i32 to index
        %parallel_loop3A_560 = tpu.vector_load %parallel_loop3A_558[%parallel_loop3A_559] {strides = array<i32>} : memref<4096xf32, #tpu.memory_space<vmem>>, vector<16xf32>,
        %parallel_loop3A_561 = vector.shape_cast %parallel_loop3A_560 : vector<16xf32> to vector<16xf32>
        %parallel_loop3A_562 = vector.shape_cast %parallel_loop3A_555 : vector<16xf32> to vector<16xf32>
        tpu.vector_store %parallel_loop3A_558[%parallel_loop3A_559], %parallel_loop3A_562 {strides = array<i32>} : memref<4096xf32, #tpu.memory_space<vmem>>, vector<16xf32>,
      } {sc.loop_unroll_factor = 8 : i64, sc.parallel_access}
      %mul3A_385 = arith.constant 4 : i32
      %mul3A_386 = arith.muli %add3A_351, %mul3A_385 : i32
      %add3A_387 = arith.constant 1 : i32
      %add3A_388 = arith.addi %mul3A_386, %add3A_387 : i32
      %mul3A_389 = arith.constant 16 : i32
      %mul3A_390 = arith.muli %add3A_388, %mul3A_389 : i32
      %get3A_391 = arith.index_cast %mul3A_390 : i32 to index
      %get3A_392 = tpu.vector_load %arg5[%get3A_391] {strides = array<i32>} : memref<1536xf32, #tpu.memory_space<vmem>>, vector<16xf32>,
      %get3A_393 = vector.shape_cast %get3A_392 : vector<16xf32> to vector<16xf32>
      %parallel_loop3A_394 = arith.constant 0 : i32
      %parallel_loop3A_395 = arith.constant 4096 : i32
      %parallel_loop3A_396 = arith.constant 16 : i32
      %parallel_loop3A_397 = arith.constant 2 : i32
      %parallel_loop3A_398 = arith.constant 1 : i32
      scf.for %parallel_loop3A_548 = %parallel_loop3A_394 to %parallel_loop3A_395 step %parallel_loop3A_396  : i32 {
        %parallel_loop3A_549 = arith.constant 0 : i32
        %parallel_loop3A_550 = tpu.memref_slice %arg6[%parallel_loop3A_397, %parallel_loop3A_398, %parallel_loop3A_549] : memref<4x4x4096xf32, #tpu.memory_space<vmem>> -> memref<1x1x4096xf32, #tpu.memory_space<vmem>>
        %parallel_loop3A_551 = tpu.memref_squeeze %parallel_loop3A_550 : memref<1x1x4096xf32, #tpu.memory_space<vmem>> -> memref<4096xf32, #tpu.memory_space<vmem>>
        %parallel_loop3A_552 = arith.index_cast %parallel_loop3A_548 : i32 to index
        %parallel_loop3A_553 = tpu.vector_load %parallel_loop3A_551[%parallel_loop3A_552] {strides = array<i32>} : memref<4096xf32, #tpu.memory_space<vmem>>, vector<16xf32>,
        %parallel_loop3A_554 = vector.shape_cast %parallel_loop3A_553 : vector<16xf32> to vector<16xf32>
        %parallel_loop3A_555 = arith.addf %parallel_loop3A_554, %get3A_393 : vector<16xf32>
        %parallel_loop3A_556 = arith.constant 0 : i32
        %parallel_loop3A_557 = tpu.memref_slice %arg6[%parallel_loop3A_397, %parallel_loop3A_398, %parallel_loop3A_556] : memref<4x4x4096xf32, #tpu.memory_space<vmem>> -> memref<1x1x4096xf32, #tpu.memory_space<vmem>>
        %parallel_loop3A_558 = tpu.memref_squeeze %parallel_loop3A_557 : memref<1x1x4096xf32, #tpu.memory_space<vmem>> -> memref<4096xf32, #tpu.memory_space<vmem>>
        %parallel_loop3A_559 = arith.index_cast %parallel_loop3A_548 : i32 to index
        %parallel_loop3A_560 = tpu.vector_load %parallel_loop3A_558[%parallel_loop3A_559] {strides = array<i32>} : memref<4096xf32, #tpu.memory_space<vmem>>, vector<16xf32>,
        %parallel_loop3A_561 = vector.shape_cast %parallel_loop3A_560 : vector<16xf32> to vector<16xf32>
        %parallel_loop3A_562 = vector.shape_cast %parallel_loop3A_555 : vector<16xf32> to vector<16xf32>
        tpu.vector_store %parallel_loop3A_558[%parallel_loop3A_559], %parallel_loop3A_562 {strides = array<i32>} : memref<4096xf32, #tpu.memory_space<vmem>>, vector<16xf32>,
      } {sc.loop_unroll_factor = 8 : i64, sc.parallel_access}
      %mul3A_399 = arith.constant 4 : i32
      %mul3A_400 = arith.muli %add3A_351, %mul3A_399 : i32
      %add3A_401 = arith.constant 2 : i32
      %add3A_402 = arith.addi %mul3A_400, %add3A_401 : i32
      %mul3A_403 = arith.constant 16 : i32
      %mul3A_404 = arith.muli %add3A_402, %mul3A_403 : i32
      %get3A_405 = arith.index_cast %mul3A_404 : i32 to index
      %get3A_406 = tpu.vector_load %arg5[%get3A_405] {strides = array<i32>} : memref<1536xf32, #tpu.memory_space<vmem>>, vector<16xf32>,
      %get3A_407 = vector.shape_cast %get3A_406 : vector<16xf32> to vector<16xf32>
      %parallel_loop3A_408 = arith.constant 0 : i32
      %parallel_loop3A_409 = arith.constant 4096 : i32
      %parallel_loop3A_410 = arith.constant 16 : i32
      %parallel_loop3A_411 = arith.constant 2 : i32
      %parallel_loop3A_412 = arith.constant 2 : i32
      scf.for %parallel_loop3A_548 = %parallel_loop3A_408 to %parallel_loop3A_409 step %parallel_loop3A_410  : i32 {
        %parallel_loop3A_549 = arith.constant 0 : i32
        %parallel_loop3A_550 = tpu.memref_slice %arg6[%parallel_loop3A_411, %parallel_loop3A_412, %parallel_loop3A_549] : memref<4x4x4096xf32, #tpu.memory_space<vmem>> -> memref<1x1x4096xf32, #tpu.memory_space<vmem>>
        %parallel_loop3A_551 = tpu.memref_squeeze %parallel_loop3A_550 : memref<1x1x4096xf32, #tpu.memory_space<vmem>> -> memref<4096xf32, #tpu.memory_space<vmem>>
        %parallel_loop3A_552 = arith.index_cast %parallel_loop3A_548 : i32 to index
        %parallel_loop3A_553 = tpu.vector_load %parallel_loop3A_551[%parallel_loop3A_552] {strides = array<i32>} : memref<4096xf32, #tpu.memory_space<vmem>>, vector<16xf32>,
        %parallel_loop3A_554 = vector.shape_cast %parallel_loop3A_553 : vector<16xf32> to vector<16xf32>
        %parallel_loop3A_555 = arith.addf %parallel_loop3A_554, %get3A_407 : vector<16xf32>
        %parallel_loop3A_556 = arith.constant 0 : i32
        %parallel_loop3A_557 = tpu.memref_slice %arg6[%parallel_loop3A_411, %parallel_loop3A_412, %parallel_loop3A_556] : memref<4x4x4096xf32, #tpu.memory_space<vmem>> -> memref<1x1x4096xf32, #tpu.memory_space<vmem>>
        %parallel_loop3A_558 = tpu.memref_squeeze %parallel_loop3A_557 : memref<1x1x4096xf32, #tpu.memory_space<vmem>> -> memref<4096xf32, #tpu.memory_space<vmem>>
        %parallel_loop3A_559 = arith.index_cast %parallel_loop3A_548 : i32 to index
        %parallel_loop3A_560 = tpu.vector_load %parallel_loop3A_558[%parallel_loop3A_559] {strides = array<i32>} : memref<4096xf32, #tpu.memory_space<vmem>>, vector<16xf32>,
        %parallel_loop3A_561 = vector.shape_cast %parallel_loop3A_560 : vector<16xf32> to vector<16xf32>
        %parallel_loop3A_562 = vector.shape_cast %parallel_loop3A_555 : vector<16xf32> to vector<16xf32>
        tpu.vector_store %parallel_loop3A_558[%parallel_loop3A_559], %parallel_loop3A_562 {strides = array<i32>} : memref<4096xf32, #tpu.memory_space<vmem>>, vector<16xf32>,
      } {sc.loop_unroll_factor = 8 : i64, sc.parallel_access}
      %mul3A_413 = arith.constant 4 : i32
      %mul3A_414 = arith.muli %add3A_351, %mul3A_413 : i32
      %add3A_415 = arith.constant 3 : i32
      %add3A_416 = arith.addi %mul3A_414, %add3A_415 : i32
      %mul3A_417 = arith.constant 16 : i32
      %mul3A_418 = arith.muli %add3A_416, %mul3A_417 : i32
      %get3A_419 = arith.index_cast %mul3A_418 : i32 to index
      %get3A_420 = tpu.vector_load %arg5[%get3A_419] {strides = array<i32>} : memref<1536xf32, #tpu.memory_space<vmem>>, vector<16xf32>,
      %get3A_421 = vector.shape_cast %get3A_420 : vector<16xf32> to vector<16xf32>
      %parallel_loop3A_422 = arith.constant 0 : i32
      %parallel_loop3A_423 = arith.constant 4096 : i32
      %parallel_loop3A_424 = arith.constant 16 : i32
      %parallel_loop3A_425 = arith.constant 2 : i32
      %parallel_loop3A_426 = arith.constant 3 : i32
      scf.for %parallel_loop3A_548 = %parallel_loop3A_422 to %parallel_loop3A_423 step %parallel_loop3A_424  : i32 {
        %parallel_loop3A_549 = arith.constant 0 : i32
        %parallel_loop3A_550 = tpu.memref_slice %arg6[%parallel_loop3A_425, %parallel_loop3A_426, %parallel_loop3A_549] : memref<4x4x4096xf32, #tpu.memory_space<vmem>> -> memref<1x1x4096xf32, #tpu.memory_space<vmem>>
        %parallel_loop3A_551 = tpu.memref_squeeze %parallel_loop3A_550 : memref<1x1x4096xf32, #tpu.memory_space<vmem>> -> memref<4096xf32, #tpu.memory_space<vmem>>
        %parallel_loop3A_552 = arith.index_cast %parallel_loop3A_548 : i32 to index
        %parallel_loop3A_553 = tpu.vector_load %parallel_loop3A_551[%parallel_loop3A_552] {strides = array<i32>} : memref<4096xf32, #tpu.memory_space<vmem>>, vector<16xf32>,
        %parallel_loop3A_554 = vector.shape_cast %parallel_loop3A_553 : vector<16xf32> to vector<16xf32>
        %parallel_loop3A_555 = arith.addf %parallel_loop3A_554, %get3A_421 : vector<16xf32>
        %parallel_loop3A_556 = arith.constant 0 : i32
        %parallel_loop3A_557 = tpu.memref_slice %arg6[%parallel_loop3A_425, %parallel_loop3A_426, %parallel_loop3A_556] : memref<4x4x4096xf32, #tpu.memory_space<vmem>> -> memref<1x1x4096xf32, #tpu.memory_space<vmem>>
        %parallel_loop3A_558 = tpu.memref_squeeze %parallel_loop3A_557 : memref<1x1x4096xf32, #tpu.memory_space<vmem>> -> memref<4096xf32, #tpu.memory_space<vmem>>
        %parallel_loop3A_559 = arith.index_cast %parallel_loop3A_548 : i32 to index
        %parallel_loop3A_560 = tpu.vector_load %parallel_loop3A_558[%parallel_loop3A_559] {strides = array<i32>} : memref<4096xf32, #tpu.memory_space<vmem>>, vector<16xf32>,
        %parallel_loop3A_561 = vector.shape_cast %parallel_loop3A_560 : vector<16xf32> to vector<16xf32>
        %parallel_loop3A_562 = vector.shape_cast %parallel_loop3A_555 : vector<16xf32> to vector<16xf32>
        tpu.vector_store %parallel_loop3A_558[%parallel_loop3A_559], %parallel_loop3A_562 {strides = array<i32>} : memref<4096xf32, #tpu.memory_space<vmem>>, vector<16xf32>,
      } {sc.loop_unroll_factor = 8 : i64, sc.parallel_access}
      %dma_start3A_427 = arith.constant 2 : i32
      %dma_start3A_428 = arith.constant 2 : i32
      %dma_start3A_429 = arith.constant 0 : i32
      %dma_start3A_430 = arith.constant 0 : i32
      %dma_start3A_431 = tpu.memref_slice %arg6[%dma_start3A_427, %dma_start3A_429, %dma_start3A_430] : memref<4x4x4096xf32, #tpu.memory_space<vmem>> -> memref<1x4x4096xf32, #tpu.memory_space<vmem>>
      %dma_start3A_432 = tpu.memref_squeeze %dma_start3A_431 : memref<1x4x4096xf32, #tpu.memory_space<vmem>> -> memref<4x4096xf32, #tpu.memory_space<vmem>>
      %dma_start3A_433 = arith.constant 0 : i32
      %dma_start3A_434 = tpu.memref_slice %arg4[%add3A_354, %dma_start3A_433] : memref<12800x4096xf32, #tpu.memory_space<hbm>> -> memref<4x4096xf32, #tpu.memory_space<hbm>>
      %dma_start3A_435 = tpu.memref_slice %arg8[%dma_start3A_428] : memref<4x!tpu.dma_semaphore, #tpu.memory_space<semaphore_mem>> -> memref<1x!tpu.dma_semaphore, #tpu.memory_space<semaphore_mem>>
      %dma_start3A_436 = tpu.memref_squeeze %dma_start3A_435 : memref<1x!tpu.dma_semaphore, #tpu.memory_space<semaphore_mem>> -> memref<!tpu.dma_semaphore, #tpu.memory_space<semaphore_mem>>
      %dma_start3A_437 = arith.constant 0 : i32
      %dma_start3A_438 = tpu.memref_slice %arg4[%add3A_354, %dma_start3A_437] : memref<12800x4096xf32, #tpu.memory_space<hbm>> -> memref<4x4096xf32, #tpu.memory_space<hbm>>
      %dma_start3A_439 = arith.constant 0 : i32
      %dma_start3A_440 = arith.constant 0 : i32
      %dma_start3A_441 = tpu.memref_slice %arg6[%dma_start3A_427, %dma_start3A_439, %dma_start3A_440] : memref<4x4x4096xf32, #tpu.memory_space<vmem>> -> memref<1x4x4096xf32, #tpu.memory_space<vmem>>
      %dma_start3A_442 = tpu.memref_squeeze %dma_start3A_441 : memref<1x4x4096xf32, #tpu.memory_space<vmem>> -> memref<4x4096xf32, #tpu.memory_space<vmem>>
      tpu.enqueue_dma source(%dma_start3A_442 : memref<4x4096xf32, #tpu.memory_space<vmem>>) target(%dma_start3A_438 : memref<4x4096xf32, #tpu.memory_space<hbm>>) target_semaphore(%dma_start3A_436 : memref<!tpu.dma_semaphore, #tpu.memory_space<semaphore_mem>>)
      %lt3A_443 = arith.constant 5 : i32
      %lt3A_444 = arith.cmpi slt, %scan3A_152, %lt3A_443 : i32
      %convert_element_type3A_445 = arith.extui %lt3A_444 : i1 to i32
      %cond3A_446 = arith.constant 0 : i32
      %cond3A_447 = arith.cmpi ne, %convert_element_type3A_445, %cond3A_446 : i32
      scf.if %cond3A_447 {
        %dma_wait3A_548 = arith.constant 2 : i32
        %dma_wait3A_549 = arith.constant 2 : i32
        %dma_wait3A_550 = arith.constant 0 : i32
        %dma_wait3A_551 = arith.constant 0 : i32
        %dma_wait3A_552 = tpu.memref_slice %arg6[%dma_wait3A_548, %dma_wait3A_550, %dma_wait3A_551] : memref<4x4x4096xf32, #tpu.memory_space<vmem>> -> memref<1x4x4096xf32, #tpu.memory_space<vmem>>
        %dma_wait3A_553 = tpu.memref_squeeze %dma_wait3A_552 : memref<1x4x4096xf32, #tpu.memory_space<vmem>> -> memref<4x4096xf32, #tpu.memory_space<vmem>>
        %dma_wait3A_554 = arith.constant 0 : i32
        %dma_wait3A_555 = tpu.memref_slice %arg4[%add3A_354, %dma_wait3A_554] : memref<12800x4096xf32, #tpu.memory_space<hbm>> -> memref<4x4096xf32, #tpu.memory_space<hbm>>
        %dma_wait3A_556 = tpu.memref_slice %arg8[%dma_wait3A_549] : memref<4x!tpu.dma_semaphore, #tpu.memory_space<semaphore_mem>> -> memref<1x!tpu.dma_semaphore, #tpu.memory_space<semaphore_mem>>
        %dma_wait3A_557 = tpu.memref_squeeze %dma_wait3A_556 : memref<1x!tpu.dma_semaphore, #tpu.memory_space<semaphore_mem>> -> memref<!tpu.dma_semaphore, #tpu.memory_space<semaphore_mem>>
        %dma_wait3A_558 = arith.constant 0 : i32
        %dma_wait3A_559 = tpu.memref_slice %arg4[%add3A_354, %dma_wait3A_558] : memref<12800x4096xf32, #tpu.memory_space<hbm>> -> memref<4x4096xf32, #tpu.memory_space<hbm>>
        %dma_wait3A_560 = arith.constant 0 : i32
        %dma_wait3A_561 = arith.constant 0 : i32
        %dma_wait3A_562 = tpu.memref_slice %arg6[%dma_wait3A_548, %dma_wait3A_560, %dma_wait3A_561] : memref<4x4x4096xf32, #tpu.memory_space<vmem>> -> memref<1x4x4096xf32, #tpu.memory_space<vmem>>
        %dma_wait3A_563 = tpu.memref_squeeze %dma_wait3A_562 : memref<1x4x4096xf32, #tpu.memory_space<vmem>> -> memref<4x4096xf32, #tpu.memory_space<vmem>>
        tpu.wait_dma2 semaphore(%dma_wait3A_557 : memref<!tpu.dma_semaphore, #tpu.memory_space<semaphore_mem>>) src(%dma_wait3A_563 : memref<4x4096xf32, #tpu.memory_space<vmem>>) dst(%dma_wait3A_559 : memref<4x4096xf32, #tpu.memory_space<hbm>>)
        %add3A_564 = arith.constant 16 : i32
        %add3A_565 = arith.addi %add3A_354, %add3A_564 : i32
        %dma_start3A_566 = arith.constant 2 : i32
        %dma_start3A_567 = arith.constant 2 : i32
        %dma_start3A_568 = arith.constant 0 : i32
        %dma_start3A_569 = arith.constant 0 : i32
        %dma_start3A_570 = tpu.memref_slice %arg6[%dma_start3A_566, %dma_start3A_568, %dma_start3A_569] : memref<4x4x4096xf32, #tpu.memory_space<vmem>> -> memref<1x4x4096xf32, #tpu.memory_space<vmem>>
        %dma_start3A_571 = tpu.memref_squeeze %dma_start3A_570 : memref<1x4x4096xf32, #tpu.memory_space<vmem>> -> memref<4x4096xf32, #tpu.memory_space<vmem>>
        %dma_start3A_572 = arith.constant 0 : i32
        %dma_start3A_573 = tpu.memref_slice %arg2[%add3A_565, %dma_start3A_572] : memref<12800x4096xf32, #tpu.memory_space<hbm>> -> memref<4x4096xf32, #tpu.memory_space<hbm>>
        %dma_start3A_574 = tpu.memref_slice %arg7[%dma_start3A_567] : memref<4x!tpu.dma_semaphore, #tpu.memory_space<semaphore_mem>> -> memref<1x!tpu.dma_semaphore, #tpu.memory_space<semaphore_mem>>
        %dma_start3A_575 = tpu.memref_squeeze %dma_start3A_574 : memref<1x!tpu.dma_semaphore, #tpu.memory_space<semaphore_mem>> -> memref<!tpu.dma_semaphore, #tpu.memory_space<semaphore_mem>>
        %dma_start3A_576 = arith.constant 0 : i32
        %dma_start3A_577 = arith.constant 0 : i32
        %dma_start3A_578 = tpu.memref_slice %arg6[%dma_start3A_566, %dma_start3A_576, %dma_start3A_577] : memref<4x4x4096xf32, #tpu.memory_space<vmem>> -> memref<1x4x4096xf32, #tpu.memory_space<vmem>>
        %dma_start3A_579 = tpu.memref_squeeze %dma_start3A_578 : memref<1x4x4096xf32, #tpu.memory_space<vmem>> -> memref<4x4096xf32, #tpu.memory_space<vmem>>
        %dma_start3A_580 = arith.constant 0 : i32
        %dma_start3A_581 = tpu.memref_slice %arg2[%add3A_565, %dma_start3A_580] : memref<12800x4096xf32, #tpu.memory_space<hbm>> -> memref<4x4096xf32, #tpu.memory_space<hbm>>
        tpu.enqueue_dma source(%dma_start3A_581 : memref<4x4096xf32, #tpu.memory_space<hbm>>) target(%dma_start3A_579 : memref<4x4096xf32, #tpu.memory_space<vmem>>) target_semaphore(%dma_start3A_575 : memref<!tpu.dma_semaphore, #tpu.memory_space<semaphore_mem>>)
      } else {
      }
      %mul3A_448 = arith.constant 4 : i32
      %mul3A_449 = arith.muli %scan3A_152, %mul3A_448 : i32
      %add3A_450 = arith.constant 3 : i32
      %add3A_451 = arith.addi %mul3A_449, %add3A_450 : i32
      %mul3A_452 = arith.constant 4 : i32
      %mul3A_453 = arith.muli %add3A_451, %mul3A_452 : i32
      %add3A_454 = arith.addi %mul3A_2, %mul3A_453 : i32
      %dma_wait3A_455 = arith.constant 3 : i32
      %dma_wait3A_456 = arith.constant 3 : i32
      %dma_wait3A_457 = arith.constant 0 : i32
      %dma_wait3A_458 = arith.constant 0 : i32
      %dma_wait3A_459 = tpu.memref_slice %arg6[%dma_wait3A_455, %dma_wait3A_457, %dma_wait3A_458] : memref<4x4x4096xf32, #tpu.memory_space<vmem>> -> memref<1x4x4096xf32, #tpu.memory_space<vmem>>
      %dma_wait3A_460 = tpu.memref_squeeze %dma_wait3A_459 : memref<1x4x4096xf32, #tpu.memory_space<vmem>> -> memref<4x4096xf32, #tpu.memory_space<vmem>>
      %dma_wait3A_461 = arith.constant 0 : i32
      %dma_wait3A_462 = tpu.memref_slice %arg2[%add3A_454, %dma_wait3A_461] : memref<12800x4096xf32, #tpu.memory_space<hbm>> -> memref<4x4096xf32, #tpu.memory_space<hbm>>
      %dma_wait3A_463 = tpu.memref_slice %arg7[%dma_wait3A_456] : memref<4x!tpu.dma_semaphore, #tpu.memory_space<semaphore_mem>> -> memref<1x!tpu.dma_semaphore, #tpu.memory_space<semaphore_mem>>
      %dma_wait3A_464 = tpu.memref_squeeze %dma_wait3A_463 : memref<1x!tpu.dma_semaphore, #tpu.memory_space<semaphore_mem>> -> memref<!tpu.dma_semaphore, #tpu.memory_space<semaphore_mem>>
      %dma_wait3A_465 = arith.constant 0 : i32
      %dma_wait3A_466 = arith.constant 0 : i32
      %dma_wait3A_467 = tpu.memref_slice %arg6[%dma_wait3A_455, %dma_wait3A_465, %dma_wait3A_466] : memref<4x4x4096xf32, #tpu.memory_space<vmem>> -> memref<1x4x4096xf32, #tpu.memory_space<vmem>>
      %dma_wait3A_468 = tpu.memref_squeeze %dma_wait3A_467 : memref<1x4x4096xf32, #tpu.memory_space<vmem>> -> memref<4x4096xf32, #tpu.memory_space<vmem>>
      %dma_wait3A_469 = arith.constant 0 : i32
      %dma_wait3A_470 = tpu.memref_slice %arg2[%add3A_454, %dma_wait3A_469] : memref<12800x4096xf32, #tpu.memory_space<hbm>> -> memref<4x4096xf32, #tpu.memory_space<hbm>>
      tpu.wait_dma2 semaphore(%dma_wait3A_464 : memref<!tpu.dma_semaphore, #tpu.memory_space<semaphore_mem>>) src(%dma_wait3A_470 : memref<4x4096xf32, #tpu.memory_space<hbm>>) dst(%dma_wait3A_468 : memref<4x4096xf32, #tpu.memory_space<vmem>>)
      %mul3A_471 = arith.constant 4 : i32
      %mul3A_472 = arith.muli %add3A_451, %mul3A_471 : i32
      %add3A_473 = arith.constant 0 : i32
      %add3A_474 = arith.addi %mul3A_472, %add3A_473 : i32
      %mul3A_475 = arith.constant 16 : i32
      %mul3A_476 = arith.muli %add3A_474, %mul3A_475 : i32
      %get3A_477 = arith.index_cast %mul3A_476 : i32 to index
      %get3A_478 = tpu.vector_load %arg5[%get3A_477] {strides = array<i32>} : memref<1536xf32, #tpu.memory_space<vmem>>, vector<16xf32>,
      %get3A_479 = vector.shape_cast %get3A_478 : vector<16xf32> to vector<16xf32>
      %parallel_loop3A_480 = arith.constant 0 : i32
      %parallel_loop3A_481 = arith.constant 4096 : i32
      %parallel_loop3A_482 = arith.constant 16 : i32
      %parallel_loop3A_483 = arith.constant 3 : i32
      %parallel_loop3A_484 = arith.constant 0 : i32
      scf.for %parallel_loop3A_548 = %parallel_loop3A_480 to %parallel_loop3A_481 step %parallel_loop3A_482  : i32 {
        %parallel_loop3A_549 = arith.constant 0 : i32
        %parallel_loop3A_550 = tpu.memref_slice %arg6[%parallel_loop3A_483, %parallel_loop3A_484, %parallel_loop3A_549] : memref<4x4x4096xf32, #tpu.memory_space<vmem>> -> memref<1x1x4096xf32, #tpu.memory_space<vmem>>
        %parallel_loop3A_551 = tpu.memref_squeeze %parallel_loop3A_550 : memref<1x1x4096xf32, #tpu.memory_space<vmem>> -> memref<4096xf32, #tpu.memory_space<vmem>>
        %parallel_loop3A_552 = arith.index_cast %parallel_loop3A_548 : i32 to index
        %parallel_loop3A_553 = tpu.vector_load %parallel_loop3A_551[%parallel_loop3A_552] {strides = array<i32>} : memref<4096xf32, #tpu.memory_space<vmem>>, vector<16xf32>,
        %parallel_loop3A_554 = vector.shape_cast %parallel_loop3A_553 : vector<16xf32> to vector<16xf32>
        %parallel_loop3A_555 = arith.addf %parallel_loop3A_554, %get3A_479 : vector<16xf32>
        %parallel_loop3A_556 = arith.constant 0 : i32
        %parallel_loop3A_557 = tpu.memref_slice %arg6[%parallel_loop3A_483, %parallel_loop3A_484, %parallel_loop3A_556] : memref<4x4x4096xf32, #tpu.memory_space<vmem>> -> memref<1x1x4096xf32, #tpu.memory_space<vmem>>
        %parallel_loop3A_558 = tpu.memref_squeeze %parallel_loop3A_557 : memref<1x1x4096xf32, #tpu.memory_space<vmem>> -> memref<4096xf32, #tpu.memory_space<vmem>>
        %parallel_loop3A_559 = arith.index_cast %parallel_loop3A_548 : i32 to index
        %parallel_loop3A_560 = tpu.vector_load %parallel_loop3A_558[%parallel_loop3A_559] {strides = array<i32>} : memref<4096xf32, #tpu.memory_space<vmem>>, vector<16xf32>,
        %parallel_loop3A_561 = vector.shape_cast %parallel_loop3A_560 : vector<16xf32> to vector<16xf32>
        %parallel_loop3A_562 = vector.shape_cast %parallel_loop3A_555 : vector<16xf32> to vector<16xf32>
        tpu.vector_store %parallel_loop3A_558[%parallel_loop3A_559], %parallel_loop3A_562 {strides = array<i32>} : memref<4096xf32, #tpu.memory_space<vmem>>, vector<16xf32>,
      } {sc.loop_unroll_factor = 8 : i64, sc.parallel_access}
      %mul3A_485 = arith.constant 4 : i32
      %mul3A_486 = arith.muli %add3A_451, %mul3A_485 : i32
      %add3A_487 = arith.constant 1 : i32
      %add3A_488 = arith.addi %mul3A_486, %add3A_487 : i32
      %mul3A_489 = arith.constant 16 : i32
      %mul3A_490 = arith.muli %add3A_488, %mul3A_489 : i32
      %get3A_491 = arith.index_cast %mul3A_490 : i32 to index
      %get3A_492 = tpu.vector_load %arg5[%get3A_491] {strides = array<i32>} : memref<1536xf32, #tpu.memory_space<vmem>>, vector<16xf32>,
      %get3A_493 = vector.shape_cast %get3A_492 : vector<16xf32> to vector<16xf32>
      %parallel_loop3A_494 = arith.constant 0 : i32
      %parallel_loop3A_495 = arith.constant 4096 : i32
      %parallel_loop3A_496 = arith.constant 16 : i32
      %parallel_loop3A_497 = arith.constant 3 : i32
      %parallel_loop3A_498 = arith.constant 1 : i32
      scf.for %parallel_loop3A_548 = %parallel_loop3A_494 to %parallel_loop3A_495 step %parallel_loop3A_496  : i32 {
        %parallel_loop3A_549 = arith.constant 0 : i32
        %parallel_loop3A_550 = tpu.memref_slice %arg6[%parallel_loop3A_497, %parallel_loop3A_498, %parallel_loop3A_549] : memref<4x4x4096xf32, #tpu.memory_space<vmem>> -> memref<1x1x4096xf32, #tpu.memory_space<vmem>>
        %parallel_loop3A_551 = tpu.memref_squeeze %parallel_loop3A_550 : memref<1x1x4096xf32, #tpu.memory_space<vmem>> -> memref<4096xf32, #tpu.memory_space<vmem>>
        %parallel_loop3A_552 = arith.index_cast %parallel_loop3A_548 : i32 to index
        %parallel_loop3A_553 = tpu.vector_load %parallel_loop3A_551[%parallel_loop3A_552] {strides = array<i32>} : memref<4096xf32, #tpu.memory_space<vmem>>, vector<16xf32>,
        %parallel_loop3A_554 = vector.shape_cast %parallel_loop3A_553 : vector<16xf32> to vector<16xf32>
        %parallel_loop3A_555 = arith.addf %parallel_loop3A_554, %get3A_493 : vector<16xf32>
        %parallel_loop3A_556 = arith.constant 0 : i32
        %parallel_loop3A_557 = tpu.memref_slice %arg6[%parallel_loop3A_497, %parallel_loop3A_498, %parallel_loop3A_556] : memref<4x4x4096xf32, #tpu.memory_space<vmem>> -> memref<1x1x4096xf32, #tpu.memory_space<vmem>>
        %parallel_loop3A_558 = tpu.memref_squeeze %parallel_loop3A_557 : memref<1x1x4096xf32, #tpu.memory_space<vmem>> -> memref<4096xf32, #tpu.memory_space<vmem>>
        %parallel_loop3A_559 = arith.index_cast %parallel_loop3A_548 : i32 to index
        %parallel_loop3A_560 = tpu.vector_load %parallel_loop3A_558[%parallel_loop3A_559] {strides = array<i32>} : memref<4096xf32, #tpu.memory_space<vmem>>, vector<16xf32>,
        %parallel_loop3A_561 = vector.shape_cast %parallel_loop3A_560 : vector<16xf32> to vector<16xf32>
        %parallel_loop3A_562 = vector.shape_cast %parallel_loop3A_555 : vector<16xf32> to vector<16xf32>
        tpu.vector_store %parallel_loop3A_558[%parallel_loop3A_559], %parallel_loop3A_562 {strides = array<i32>} : memref<4096xf32, #tpu.memory_space<vmem>>, vector<16xf32>,
      } {sc.loop_unroll_factor = 8 : i64, sc.parallel_access}
      %mul3A_499 = arith.constant 4 : i32
      %mul3A_500 = arith.muli %add3A_451, %mul3A_499 : i32
      %add3A_501 = arith.constant 2 : i32
      %add3A_502 = arith.addi %mul3A_500, %add3A_501 : i32
      %mul3A_503 = arith.constant 16 : i32
      %mul3A_504 = arith.muli %add3A_502, %mul3A_503 : i32
      %get3A_505 = arith.index_cast %mul3A_504 : i32 to index
      %get3A_506 = tpu.vector_load %arg5[%get3A_505] {strides = array<i32>} : memref<1536xf32, #tpu.memory_space<vmem>>, vector<16xf32>,
      %get3A_507 = vector.shape_cast %get3A_506 : vector<16xf32> to vector<16xf32>
      %parallel_loop3A_508 = arith.constant 0 : i32
      %parallel_loop3A_509 = arith.constant 4096 : i32
      %parallel_loop3A_510 = arith.constant 16 : i32
      %parallel_loop3A_511 = arith.constant 3 : i32
      %parallel_loop3A_512 = arith.constant 2 : i32
      scf.for %parallel_loop3A_548 = %parallel_loop3A_508 to %parallel_loop3A_509 step %parallel_loop3A_510  : i32 {
        %parallel_loop3A_549 = arith.constant 0 : i32
        %parallel_loop3A_550 = tpu.memref_slice %arg6[%parallel_loop3A_511, %parallel_loop3A_512, %parallel_loop3A_549] : memref<4x4x4096xf32, #tpu.memory_space<vmem>> -> memref<1x1x4096xf32, #tpu.memory_space<vmem>>
        %parallel_loop3A_551 = tpu.memref_squeeze %parallel_loop3A_550 : memref<1x1x4096xf32, #tpu.memory_space<vmem>> -> memref<4096xf32, #tpu.memory_space<vmem>>
        %parallel_loop3A_552 = arith.index_cast %parallel_loop3A_548 : i32 to index
        %parallel_loop3A_553 = tpu.vector_load %parallel_loop3A_551[%parallel_loop3A_552] {strides = array<i32>} : memref<4096xf32, #tpu.memory_space<vmem>>, vector<16xf32>,
        %parallel_loop3A_554 = vector.shape_cast %parallel_loop3A_553 : vector<16xf32> to vector<16xf32>
        %parallel_loop3A_555 = arith.addf %parallel_loop3A_554, %get3A_507 : vector<16xf32>
        %parallel_loop3A_556 = arith.constant 0 : i32
        %parallel_loop3A_557 = tpu.memref_slice %arg6[%parallel_loop3A_511, %parallel_loop3A_512, %parallel_loop3A_556] : memref<4x4x4096xf32, #tpu.memory_space<vmem>> -> memref<1x1x4096xf32, #tpu.memory_space<vmem>>
        %parallel_loop3A_558 = tpu.memref_squeeze %parallel_loop3A_557 : memref<1x1x4096xf32, #tpu.memory_space<vmem>> -> memref<4096xf32, #tpu.memory_space<vmem>>
        %parallel_loop3A_559 = arith.index_cast %parallel_loop3A_548 : i32 to index
        %parallel_loop3A_560 = tpu.vector_load %parallel_loop3A_558[%parallel_loop3A_559] {strides = array<i32>} : memref<4096xf32, #tpu.memory_space<vmem>>, vector<16xf32>,
        %parallel_loop3A_561 = vector.shape_cast %parallel_loop3A_560 : vector<16xf32> to vector<16xf32>
        %parallel_loop3A_562 = vector.shape_cast %parallel_loop3A_555 : vector<16xf32> to vector<16xf32>
        tpu.vector_store %parallel_loop3A_558[%parallel_loop3A_559], %parallel_loop3A_562 {strides = array<i32>} : memref<4096xf32, #tpu.memory_space<vmem>>, vector<16xf32>,
      } {sc.loop_unroll_factor = 8 : i64, sc.parallel_access}
      %mul3A_513 = arith.constant 4 : i32
      %mul3A_514 = arith.muli %add3A_451, %mul3A_513 : i32
      %add3A_515 = arith.constant 3 : i32
      %add3A_516 = arith.addi %mul3A_514, %add3A_515 : i32
      %mul3A_517 = arith.constant 16 : i32
      %mul3A_518 = arith.muli %add3A_516, %mul3A_517 : i32
      %get3A_519 = arith.index_cast %mul3A_518 : i32 to index
      %get3A_520 = tpu.vector_load %arg5[%get3A_519] {strides = array<i32>} : memref<1536xf32, #tpu.memory_space<vmem>>, vector<16xf32>,
      %get3A_521 = vector.shape_cast %get3A_520 : vector<16xf32> to vector<16xf32>
      %parallel_loop3A_522 = arith.constant 0 : i32
      %parallel_loop3A_523 = arith.constant 4096 : i32
      %parallel_loop3A_524 = arith.constant 16 : i32
      %parallel_loop3A_525 = arith.constant 3 : i32
      %parallel_loop3A_526 = arith.constant 3 : i32
      scf.for %parallel_loop3A_548 = %parallel_loop3A_522 to %parallel_loop3A_523 step %parallel_loop3A_524  : i32 {
        %parallel_loop3A_549 = arith.constant 0 : i32
        %parallel_loop3A_550 = tpu.memref_slice %arg6[%parallel_loop3A_525, %parallel_loop3A_526, %parallel_loop3A_549] : memref<4x4x4096xf32, #tpu.memory_space<vmem>> -> memref<1x1x4096xf32, #tpu.memory_space<vmem>>
        %parallel_loop3A_551 = tpu.memref_squeeze %parallel_loop3A_550 : memref<1x1x4096xf32, #tpu.memory_space<vmem>> -> memref<4096xf32, #tpu.memory_space<vmem>>
        %parallel_loop3A_552 = arith.index_cast %parallel_loop3A_548 : i32 to index
        %parallel_loop3A_553 = tpu.vector_load %parallel_loop3A_551[%parallel_loop3A_552] {strides = array<i32>} : memref<4096xf32, #tpu.memory_space<vmem>>, vector<16xf32>,
        %parallel_loop3A_554 = vector.shape_cast %parallel_loop3A_553 : vector<16xf32> to vector<16xf32>
        %parallel_loop3A_555 = arith.addf %parallel_loop3A_554, %get3A_521 : vector<16xf32>
        %parallel_loop3A_556 = arith.constant 0 : i32
        %parallel_loop3A_557 = tpu.memref_slice %arg6[%parallel_loop3A_525, %parallel_loop3A_526, %parallel_loop3A_556] : memref<4x4x4096xf32, #tpu.memory_space<vmem>> -> memref<1x1x4096xf32, #tpu.memory_space<vmem>>
        %parallel_loop3A_558 = tpu.memref_squeeze %parallel_loop3A_557 : memref<1x1x4096xf32, #tpu.memory_space<vmem>> -> memref<4096xf32, #tpu.memory_space<vmem>>
        %parallel_loop3A_559 = arith.index_cast %parallel_loop3A_548 : i32 to index
        %parallel_loop3A_560 = tpu.vector_load %parallel_loop3A_558[%parallel_loop3A_559] {strides = array<i32>} : memref<4096xf32, #tpu.memory_space<vmem>>, vector<16xf32>,
        %parallel_loop3A_561 = vector.shape_cast %parallel_loop3A_560 : vector<16xf32> to vector<16xf32>
        %parallel_loop3A_562 = vector.shape_cast %parallel_loop3A_555 : vector<16xf32> to vector<16xf32>
        tpu.vector_store %parallel_loop3A_558[%parallel_loop3A_559], %parallel_loop3A_562 {strides = array<i32>} : memref<4096xf32, #tpu.memory_space<vmem>>, vector<16xf32>,
      } {sc.loop_unroll_factor = 8 : i64, sc.parallel_access}
      %dma_start3A_527 = arith.constant 3 : i32
      %dma_start3A_528 = arith.constant 3 : i32
      %dma_start3A_529 = arith.constant 0 : i32
      %dma_start3A_530 = arith.constant 0 : i32
      %dma_start3A_531 = tpu.memref_slice %arg6[%dma_start3A_527, %dma_start3A_529, %dma_start3A_530] : memref<4x4x4096xf32, #tpu.memory_space<vmem>> -> memref<1x4x4096xf32, #tpu.memory_space<vmem>>
      %dma_start3A_532 = tpu.memref_squeeze %dma_start3A_531 : memref<1x4x4096xf32, #tpu.memory_space<vmem>> -> memref<4x4096xf32, #tpu.memory_space<vmem>>
      %dma_start3A_533 = arith.constant 0 : i32
      %dma_start3A_534 = tpu.memref_slice %arg4[%add3A_454, %dma_start3A_533] : memref<12800x4096xf32, #tpu.memory_space<hbm>> -> memref<4x4096xf32, #tpu.memory_space<hbm>>
      %dma_start3A_535 = tpu.memref_slice %arg8[%dma_start3A_528] : memref<4x!tpu.dma_semaphore, #tpu.memory_space<semaphore_mem>> -> memref<1x!tpu.dma_semaphore, #tpu.memory_space<semaphore_mem>>
      %dma_start3A_536 = tpu.memref_squeeze %dma_start3A_535 : memref<1x!tpu.dma_semaphore, #tpu.memory_space<semaphore_mem>> -> memref<!tpu.dma_semaphore, #tpu.memory_space<semaphore_mem>>
      %dma_start3A_537 = arith.constant 0 : i32
      %dma_start3A_538 = tpu.memref_slice %arg4[%add3A_454, %dma_start3A_537] : memref<12800x4096xf32, #tpu.memory_space<hbm>> -> memref<4x4096xf32, #tpu.memory_space<hbm>>
      %dma_start3A_539 = arith.constant 0 : i32
      %dma_start3A_540 = arith.constant 0 : i32
      %dma_start3A_541 = tpu.memref_slice %arg6[%dma_start3A_527, %dma_start3A_539, %dma_start3A_540] : memref<4x4x4096xf32, #tpu.memory_space<vmem>> -> memref<1x4x4096xf32, #tpu.memory_space<vmem>>
      %dma_start3A_542 = tpu.memref_squeeze %dma_start3A_541 : memref<1x4x4096xf32, #tpu.memory_space<vmem>> -> memref<4x4096xf32, #tpu.memory_space<vmem>>
      tpu.enqueue_dma source(%dma_start3A_542 : memref<4x4096xf32, #tpu.memory_space<vmem>>) target(%dma_start3A_538 : memref<4x4096xf32, #tpu.memory_space<hbm>>) target_semaphore(%dma_start3A_536 : memref<!tpu.dma_semaphore, #tpu.memory_space<semaphore_mem>>)
      %lt3A_543 = arith.constant 5 : i32
      %lt3A_544 = arith.cmpi slt, %scan3A_152, %lt3A_543 : i32
      %convert_element_type3A_545 = arith.extui %lt3A_544 : i1 to i32
      %cond3A_546 = arith.constant 0 : i32
      %cond3A_547 = arith.cmpi ne, %convert_element_type3A_545, %cond3A_546 : i32
      scf.if %cond3A_547 {
        %dma_wait3A_548 = arith.constant 3 : i32
        %dma_wait3A_549 = arith.constant 3 : i32
        %dma_wait3A_550 = arith.constant 0 : i32
        %dma_wait3A_551 = arith.constant 0 : i32
        %dma_wait3A_552 = tpu.memref_slice %arg6[%dma_wait3A_548, %dma_wait3A_550, %dma_wait3A_551] : memref<4x4x4096xf32, #tpu.memory_space<vmem>> -> memref<1x4x4096xf32, #tpu.memory_space<vmem>>
        %dma_wait3A_553 = tpu.memref_squeeze %dma_wait3A_552 : memref<1x4x4096xf32, #tpu.memory_space<vmem>> -> memref<4x4096xf32, #tpu.memory_space<vmem>>
        %dma_wait3A_554 = arith.constant 0 : i32
        %dma_wait3A_555 = tpu.memref_slice %arg4[%add3A_454, %dma_wait3A_554] : memref<12800x4096xf32, #tpu.memory_space<hbm>> -> memref<4x4096xf32, #tpu.memory_space<hbm>>
        %dma_wait3A_556 = tpu.memref_slice %arg8[%dma_wait3A_549] : memref<4x!tpu.dma_semaphore, #tpu.memory_space<semaphore_mem>> -> memref<1x!tpu.dma_semaphore, #tpu.memory_space<semaphore_mem>>
        %dma_wait3A_557 = tpu.memref_squeeze %dma_wait3A_556 : memref<1x!tpu.dma_semaphore, #tpu.memory_space<semaphore_mem>> -> memref<!tpu.dma_semaphore, #tpu.memory_space<semaphore_mem>>
        %dma_wait3A_558 = arith.constant 0 : i32
        %dma_wait3A_559 = tpu.memref_slice %arg4[%add3A_454, %dma_wait3A_558] : memref<12800x4096xf32, #tpu.memory_space<hbm>> -> memref<4x4096xf32, #tpu.memory_space<hbm>>
        %dma_wait3A_560 = arith.constant 0 : i32
        %dma_wait3A_561 = arith.constant 0 : i32
        %dma_wait3A_562 = tpu.memref_slice %arg6[%dma_wait3A_548, %dma_wait3A_560, %dma_wait3A_561] : memref<4x4x4096xf32, #tpu.memory_space<vmem>> -> memref<1x4x4096xf32, #tpu.memory_space<vmem>>
        %dma_wait3A_563 = tpu.memref_squeeze %dma_wait3A_562 : memref<1x4x4096xf32, #tpu.memory_space<vmem>> -> memref<4x4096xf32, #tpu.memory_space<vmem>>
        tpu.wait_dma2 semaphore(%dma_wait3A_557 : memref<!tpu.dma_semaphore, #tpu.memory_space<semaphore_mem>>) src(%dma_wait3A_563 : memref<4x4096xf32, #tpu.memory_space<vmem>>) dst(%dma_wait3A_559 : memref<4x4096xf32, #tpu.memory_space<hbm>>)
        %add3A_564 = arith.constant 16 : i32
        %add3A_565 = arith.addi %add3A_454, %add3A_564 : i32
        %dma_start3A_566 = arith.constant 3 : i32
        %dma_start3A_567 = arith.constant 3 : i32
        %dma_start3A_568 = arith.constant 0 : i32
        %dma_start3A_569 = arith.constant 0 : i32
        %dma_start3A_570 = tpu.memref_slice %arg6[%dma_start3A_566, %dma_start3A_568, %dma_start3A_569] : memref<4x4x4096xf32, #tpu.memory_space<vmem>> -> memref<1x4x4096xf32, #tpu.memory_space<vmem>>
        %dma_start3A_571 = tpu.memref_squeeze %dma_start3A_570 : memref<1x4x4096xf32, #tpu.memory_space<vmem>> -> memref<4x4096xf32, #tpu.memory_space<vmem>>
        %dma_start3A_572 = arith.constant 0 : i32
        %dma_start3A_573 = tpu.memref_slice %arg2[%add3A_565, %dma_start3A_572] : memref<12800x4096xf32, #tpu.memory_space<hbm>> -> memref<4x4096xf32, #tpu.memory_space<hbm>>
        %dma_start3A_574 = tpu.memref_slice %arg7[%dma_start3A_567] : memref<4x!tpu.dma_semaphore, #tpu.memory_space<semaphore_mem>> -> memref<1x!tpu.dma_semaphore, #tpu.memory_space<semaphore_mem>>
        %dma_start3A_575 = tpu.memref_squeeze %dma_start3A_574 : memref<1x!tpu.dma_semaphore, #tpu.memory_space<semaphore_mem>> -> memref<!tpu.dma_semaphore, #tpu.memory_space<semaphore_mem>>
        %dma_start3A_576 = arith.constant 0 : i32
        %dma_start3A_577 = arith.constant 0 : i32
        %dma_start3A_578 = tpu.memref_slice %arg6[%dma_start3A_566, %dma_start3A_576, %dma_start3A_577] : memref<4x4x4096xf32, #tpu.memory_space<vmem>> -> memref<1x4x4096xf32, #tpu.memory_space<vmem>>
        %dma_start3A_579 = tpu.memref_squeeze %dma_start3A_578 : memref<1x4x4096xf32, #tpu.memory_space<vmem>> -> memref<4x4096xf32, #tpu.memory_space<vmem>>
        %dma_start3A_580 = arith.constant 0 : i32
        %dma_start3A_581 = tpu.memref_slice %arg2[%add3A_565, %dma_start3A_580] : memref<12800x4096xf32, #tpu.memory_space<hbm>> -> memref<4x4096xf32, #tpu.memory_space<hbm>>
        tpu.enqueue_dma source(%dma_start3A_581 : memref<4x4096xf32, #tpu.memory_space<hbm>>) target(%dma_start3A_579 : memref<4x4096xf32, #tpu.memory_space<vmem>>) target_semaphore(%dma_start3A_575 : memref<!tpu.dma_semaphore, #tpu.memory_space<semaphore_mem>>)
      } else {
      }
    }
    %scan3A_80 = arith.constant 6 : i32
    %add3A_81 = arith.constant 80 : i32
    %add3A_82 = arith.addi %mul3A_2, %add3A_81 : i32
    %dma_wait3A = arith.constant 0 : i32
    %dma_wait3A_83 = arith.constant 0 : i32
    %dma_wait3A_84 = arith.constant 0 : i32
    %dma_wait3A_85 = arith.constant 0 : i32
    %dma_wait3A_86 = tpu.memref_slice %arg6[%dma_wait3A, %dma_wait3A_84, %dma_wait3A_85] : memref<4x4x4096xf32, #tpu.memory_space<vmem>> -> memref<1x4x4096xf32, #tpu.memory_space<vmem>>
    %dma_wait3A_87 = tpu.memref_squeeze %dma_wait3A_86 : memref<1x4x4096xf32, #tpu.memory_space<vmem>> -> memref<4x4096xf32, #tpu.memory_space<vmem>>
    %dma_wait3A_88 = arith.constant 0 : i32
    %dma_wait3A_89 = tpu.memref_slice %arg4[%add3A_82, %dma_wait3A_88] : memref<12800x4096xf32, #tpu.memory_space<hbm>> -> memref<4x4096xf32, #tpu.memory_space<hbm>>
    %dma_wait3A_90 = tpu.memref_slice %arg8[%dma_wait3A_83] : memref<4x!tpu.dma_semaphore, #tpu.memory_space<semaphore_mem>> -> memref<1x!tpu.dma_semaphore, #tpu.memory_space<semaphore_mem>>
    %dma_wait3A_91 = tpu.memref_squeeze %dma_wait3A_90 : memref<1x!tpu.dma_semaphore, #tpu.memory_space<semaphore_mem>> -> memref<!tpu.dma_semaphore, #tpu.memory_space<semaphore_mem>>
    %dma_wait3A_92 = arith.constant 0 : i32
    %dma_wait3A_93 = tpu.memref_slice %arg4[%add3A_82, %dma_wait3A_92] : memref<12800x4096xf32, #tpu.memory_space<hbm>> -> memref<4x4096xf32, #tpu.memory_space<hbm>>
    %dma_wait3A_94 = arith.constant 0 : i32
    %dma_wait3A_95 = arith.constant 0 : i32
    %dma_wait3A_96 = tpu.memref_slice %arg6[%dma_wait3A, %dma_wait3A_94, %dma_wait3A_95] : memref<4x4x4096xf32, #tpu.memory_space<vmem>> -> memref<1x4x4096xf32, #tpu.memory_space<vmem>>
    %dma_wait3A_97 = tpu.memref_squeeze %dma_wait3A_96 : memref<1x4x4096xf32, #tpu.memory_space<vmem>> -> memref<4x4096xf32, #tpu.memory_space<vmem>>
    tpu.wait_dma2 semaphore(%dma_wait3A_91 : memref<!tpu.dma_semaphore, #tpu.memory_space<semaphore_mem>>) src(%dma_wait3A_97 : memref<4x4096xf32, #tpu.memory_space<vmem>>) dst(%dma_wait3A_93 : memref<4x4096xf32, #tpu.memory_space<hbm>>)
    %add3A_98 = arith.constant 84 : i32
    %add3A_99 = arith.addi %mul3A_2, %add3A_98 : i32
    %dma_wait3A_100 = arith.constant 1 : i32
    %dma_wait3A_101 = arith.constant 1 : i32
    %dma_wait3A_102 = arith.constant 0 : i32
    %dma_wait3A_103 = arith.constant 0 : i32
    %dma_wait3A_104 = tpu.memref_slice %arg6[%dma_wait3A_100, %dma_wait3A_102, %dma_wait3A_103] : memref<4x4x4096xf32, #tpu.memory_space<vmem>> -> memref<1x4x4096xf32, #tpu.memory_space<vmem>>
    %dma_wait3A_105 = tpu.memref_squeeze %dma_wait3A_104 : memref<1x4x4096xf32, #tpu.memory_space<vmem>> -> memref<4x4096xf32, #tpu.memory_space<vmem>>
    %dma_wait3A_106 = arith.constant 0 : i32
    %dma_wait3A_107 = tpu.memref_slice %arg4[%add3A_99, %dma_wait3A_106] : memref<12800x4096xf32, #tpu.memory_space<hbm>> -> memref<4x4096xf32, #tpu.memory_space<hbm>>
    %dma_wait3A_108 = tpu.memref_slice %arg8[%dma_wait3A_101] : memref<4x!tpu.dma_semaphore, #tpu.memory_space<semaphore_mem>> -> memref<1x!tpu.dma_semaphore, #tpu.memory_space<semaphore_mem>>
    %dma_wait3A_109 = tpu.memref_squeeze %dma_wait3A_108 : memref<1x!tpu.dma_semaphore, #tpu.memory_space<semaphore_mem>> -> memref<!tpu.dma_semaphore, #tpu.memory_space<semaphore_mem>>
    %dma_wait3A_110 = arith.constant 0 : i32
    %dma_wait3A_111 = tpu.memref_slice %arg4[%add3A_99, %dma_wait3A_110] : memref<12800x4096xf32, #tpu.memory_space<hbm>> -> memref<4x4096xf32, #tpu.memory_space<hbm>>
    %dma_wait3A_112 = arith.constant 0 : i32
    %dma_wait3A_113 = arith.constant 0 : i32
    %dma_wait3A_114 = tpu.memref_slice %arg6[%dma_wait3A_100, %dma_wait3A_112, %dma_wait3A_113] : memref<4x4x4096xf32, #tpu.memory_space<vmem>> -> memref<1x4x4096xf32, #tpu.memory_space<vmem>>
    %dma_wait3A_115 = tpu.memref_squeeze %dma_wait3A_114 : memref<1x4x4096xf32, #tpu.memory_space<vmem>> -> memref<4x4096xf32, #tpu.memory_space<vmem>>
    tpu.wait_dma2 semaphore(%dma_wait3A_109 : memref<!tpu.dma_semaphore, #tpu.memory_space<semaphore_mem>>) src(%dma_wait3A_115 : memref<4x4096xf32, #tpu.memory_space<vmem>>) dst(%dma_wait3A_111 : memref<4x4096xf32, #tpu.memory_space<hbm>>)
    %add3A_116 = arith.constant 88 : i32
    %add3A_117 = arith.addi %mul3A_2, %add3A_116 : i32
    %dma_wait3A_118 = arith.constant 2 : i32
    %dma_wait3A_119 = arith.constant 2 : i32
    %dma_wait3A_120 = arith.constant 0 : i32
    %dma_wait3A_121 = arith.constant 0 : i32
    %dma_wait3A_122 = tpu.memref_slice %arg6[%dma_wait3A_118, %dma_wait3A_120, %dma_wait3A_121] : memref<4x4x4096xf32, #tpu.memory_space<vmem>> -> memref<1x4x4096xf32, #tpu.memory_space<vmem>>
    %dma_wait3A_123 = tpu.memref_squeeze %dma_wait3A_122 : memref<1x4x4096xf32, #tpu.memory_space<vmem>> -> memref<4x4096xf32, #tpu.memory_space<vmem>>
    %dma_wait3A_124 = arith.constant 0 : i32
    %dma_wait3A_125 = tpu.memref_slice %arg4[%add3A_117, %dma_wait3A_124] : memref<12800x4096xf32, #tpu.memory_space<hbm>> -> memref<4x4096xf32, #tpu.memory_space<hbm>>
    %dma_wait3A_126 = tpu.memref_slice %arg8[%dma_wait3A_119] : memref<4x!tpu.dma_semaphore, #tpu.memory_space<semaphore_mem>> -> memref<1x!tpu.dma_semaphore, #tpu.memory_space<semaphore_mem>>
    %dma_wait3A_127 = tpu.memref_squeeze %dma_wait3A_126 : memref<1x!tpu.dma_semaphore, #tpu.memory_space<semaphore_mem>> -> memref<!tpu.dma_semaphore, #tpu.memory_space<semaphore_mem>>
    %dma_wait3A_128 = arith.constant 0 : i32
    %dma_wait3A_129 = tpu.memref_slice %arg4[%add3A_117, %dma_wait3A_128] : memref<12800x4096xf32, #tpu.memory_space<hbm>> -> memref<4x4096xf32, #tpu.memory_space<hbm>>
    %dma_wait3A_130 = arith.constant 0 : i32
    %dma_wait3A_131 = arith.constant 0 : i32
    %dma_wait3A_132 = tpu.memref_slice %arg6[%dma_wait3A_118, %dma_wait3A_130, %dma_wait3A_131] : memref<4x4x4096xf32, #tpu.memory_space<vmem>> -> memref<1x4x4096xf32, #tpu.memory_space<vmem>>
    %dma_wait3A_133 = tpu.memref_squeeze %dma_wait3A_132 : memref<1x4x4096xf32, #tpu.memory_space<vmem>> -> memref<4x4096xf32, #tpu.memory_space<vmem>>
    tpu.wait_dma2 semaphore(%dma_wait3A_127 : memref<!tpu.dma_semaphore, #tpu.memory_space<semaphore_mem>>) src(%dma_wait3A_133 : memref<4x4096xf32, #tpu.memory_space<vmem>>) dst(%dma_wait3A_129 : memref<4x4096xf32, #tpu.memory_space<hbm>>)
    %add3A_134 = arith.constant 92 : i32
    %add3A_135 = arith.addi %mul3A_2, %add3A_134 : i32
    %dma_wait3A_136 = arith.constant 3 : i32
    %dma_wait3A_137 = arith.constant 3 : i32
    %dma_wait3A_138 = arith.constant 0 : i32
    %dma_wait3A_139 = arith.constant 0 : i32
    %dma_wait3A_140 = tpu.memref_slice %arg6[%dma_wait3A_136, %dma_wait3A_138, %dma_wait3A_139] : memref<4x4x4096xf32, #tpu.memory_space<vmem>> -> memref<1x4x4096xf32, #tpu.memory_space<vmem>>
    %dma_wait3A_141 = tpu.memref_squeeze %dma_wait3A_140 : memref<1x4x4096xf32, #tpu.memory_space<vmem>> -> memref<4x4096xf32, #tpu.memory_space<vmem>>
    %dma_wait3A_142 = arith.constant 0 : i32
    %dma_wait3A_143 = tpu.memref_slice %arg4[%add3A_135, %dma_wait3A_142] : memref<12800x4096xf32, #tpu.memory_space<hbm>> -> memref<4x4096xf32, #tpu.memory_space<hbm>>
    %dma_wait3A_144 = tpu.memref_slice %arg8[%dma_wait3A_137] : memref<4x!tpu.dma_semaphore, #tpu.memory_space<semaphore_mem>> -> memref<1x!tpu.dma_semaphore, #tpu.memory_space<semaphore_mem>>
    %dma_wait3A_145 = tpu.memref_squeeze %dma_wait3A_144 : memref<1x!tpu.dma_semaphore, #tpu.memory_space<semaphore_mem>> -> memref<!tpu.dma_semaphore, #tpu.memory_space<semaphore_mem>>
    %dma_wait3A_146 = arith.constant 0 : i32
    %dma_wait3A_147 = tpu.memref_slice %arg4[%add3A_135, %dma_wait3A_146] : memref<12800x4096xf32, #tpu.memory_space<hbm>> -> memref<4x4096xf32, #tpu.memory_space<hbm>>
    %dma_wait3A_148 = arith.constant 0 : i32
    %dma_wait3A_149 = arith.constant 0 : i32
    %dma_wait3A_150 = tpu.memref_slice %arg6[%dma_wait3A_136, %dma_wait3A_148, %dma_wait3A_149] : memref<4x4x4096xf32, #tpu.memory_space<vmem>> -> memref<1x4x4096xf32, #tpu.memory_space<vmem>>
    %dma_wait3A_151 = tpu.memref_squeeze %dma_wait3A_150 : memref<1x4x4096xf32, #tpu.memory_space<vmem>> -> memref<4x4096xf32, #tpu.memory_space<vmem>>
    tpu.wait_dma2 semaphore(%dma_wait3A_145 : memref<!tpu.dma_semaphore, #tpu.memory_space<semaphore_mem>>) src(%dma_wait3A_151 : memref<4x4096xf32, #tpu.memory_space<vmem>>) dst(%dma_wait3A_147 : memref<4x4096xf32, #tpu.memory_space<hbm>>)
    return
  }
}

module attributes {stable_mosaic.version = 14 : i64} {
  func.func @_tc_tail_body(%arg0: i32, %arg1: memref<512x4096xf32, #tpu.memory_space<vmem>>, %arg2: memref<512x1xf32, #tpu.memory_space<vmem>>, %arg3: memref<12800x4096xf32, #tpu.memory_space<any>>, %arg4: memref<512x4096xf32, #tpu.memory_space<vmem>>) attributes {dimension_semantics = [#tpu.dimension_semantics<arbitrary>], iteration_bounds = array<i64: 19>, scalar_prefetch = 0 : i64, scratch_operands = 0 : i64, tpu.core_type = #tpu.core_type<tc>, window_params = [{transform_indices = @transform_0, window_bounds = array<i64: 512, 4096>}, {transform_indices = @transform_1, window_bounds = array<i64: 512, 1>}, {}, {transform_indices = @transform_3, window_bounds = array<i64: 512, 4096>}]} {
    %get3A = arith.constant 0 : index
    %get3A_0 = arith.constant 0 : index
    %get3A_1 = vector.load %arg1[%get3A, %get3A_0] : memref<512x4096xf32, #tpu.memory_space<vmem>>, vector<512x4096xf32>
    %get3A_2 = arith.constant 0 : index
    %get3A_3 = arith.constant 0 : index
    %get3A_4 = vector.load %arg2[%get3A_2, %get3A_3] : memref<512x1xf32, #tpu.memory_space<vmem>>, vector<512x1xf32>
    %add3A = vector.broadcast %get3A_4 : vector<512x1xf32> to vector<512x4096xf32>
    %add3A_5 = arith.addf %get3A_1, %add3A : vector<512x4096xf32>
    %swap3A = arith.constant 0 : index
    %swap3A_6 = arith.constant 0 : index
    %swap3A_7 = vector.load %arg4[%swap3A, %swap3A_6] : memref<512x4096xf32, #tpu.memory_space<vmem>>, vector<512x4096xf32>
    tpu.vector_store %arg4[%swap3A, %swap3A_6], %add3A_5 {strides = array<i32>} : memref<512x4096xf32, #tpu.memory_space<vmem>>, vector<512x4096xf32>,
    return
  }
  func.func @transform_0(%arg0: i32) -> (i32, i32) {
    %add3A = arith.constant 6 : i32
    %add3A_0 = arith.addi %arg0, %add3A : i32
    %c0_i32 = arith.constant 0 : i32
    %c0_i32_1 = arith.constant 0 : i32
    return %add3A_0, %c0_i32 : i32, i32
  }
  func.func @transform_1(%arg0: i32) -> (i32, i32) {
    %add3A = arith.constant 6 : i32
    %add3A_0 = arith.addi %arg0, %add3A : i32
    %c0_i32 = arith.constant 0 : i32
    %c0_i32_1 = arith.constant 0 : i32
    return %add3A_0, %c0_i32 : i32, i32
  }
  func.func @transform_3(%arg0: i32) -> (i32, i32) {
    %add3A = arith.constant 6 : i32
    %add3A_0 = arith.addi %arg0, %add3A : i32
    %c0_i32 = arith.constant 0 : i32
    %c0_i32_1 = arith.constant 0 : i32
    return %add3A_0, %c0_i32 : i32, i32
  }
}

</mosaic_0001>

<sc_bundles>
// kernel: kernel.4.cloned.1.call-start
scs
__scs_entry_jumppad:
0x0: {  	(pc) =	sbr.rel $0x88, $3  }
0x1: {  	(tag) =	ssettag $0x0;
	lr =	simm.s32 $0x1  }
0x2: {  	[smem:$0x3F9F] =	sst lr;
	_ =	strace $0xD0000000  }
0x3: {  	_ = 	snop  }
0x4: {  	_ = 	snop  }
0x5: {  	_ = 	snop  }
0x6: {  	_ = 	snop  }
0x7: {  	_ = 	snop  }
__scs_overlays_trampoline_lowered:
0x8: {  	[smem:$0x3FAE] =	sst s0  }
0x9: {  	[smem:$0x3FAF] =	sst s1  }
0xa: {  	[smem:$0x3FB0] =	sst s2  }
0xb: {  	[smem:$0x3FB1] =	sst s3  }
0xc: {  	[smem:$0x3FB2] =	sst s4  }
0xd: {  	[smem:$0x3FB3] =	sst s5  }
0xe: {  	[smem:$0x3FB4] =	sst s6  }
0xf: {  	[smem:$0x3FB5] =	sst s7  }
0x10: {  	[smem:$0x3FB6] =	sst s8  }
0x11: {  	[smem:$0x3FB7] =	sst s9;
	s0 =	simm.s32 @!p0 $0x0  }
0x12: {  	s1 =	sld [smem:$0x3F9D];
	s0 =	simm.s32 @p0 $0x1  }
0x13: {  	[smem:$0x3FB8] =	sst s0;
	s0 =	simm.s32 @!p1 $0x0  }
0x14: {  	s2 =	sld [smem:$0x3F9C];
	s0 =	simm.s32 @p1 $0x1  }
0x15: {  	[smem:$0x3FB9] =	sst s0;
	s0 =	simm.s32 @!p2 $0x0  }
0x16: {  	s3 =	sld [smem:$0x3FDB];
	s0 =	simm.s32 @p2 $0x1  }
0x17: {  	s4 =	simm.s32 $0x1BF5;
	[smem:$0x3FBB] =	sst s0  }
0x18: {  	s0 =	sld [smem:$0x3F9E];
	_ =	swait.ge [sflag:s4], $0x0  }
0x19: {  	s7 =	sld [smem:$0x3F9F]  }
0x1a: {  	s8 =	sadd.s32 $0xFFFFE003, lr  }
0x1b: {  	s9 =	sadd.s32 $0xFFFFFEF7, lr;
	s5 =	simm.s32 $0xFFFFFFFF;
	p2 =	slt.u32 s8, $0xFFFFF086  }
0x1c: {  	p1 =	slt.u32 s9, $0xF7A;
	s5 =	simm.s32 @!p2 $0x0  }
0x1d: {  	s5 =	simm.s32 @p1 $0x1;
	p0 =	seq.s32 s7, s2  }
0x1e: {  	s7 =	smul.u32 @!p0 $0xF7A, s2;
	p2 =	seq.s32 @!p0 s5, $0x0  }
0x1f: {  	s9 =	smul.u32 $0xF7A, s1;
	s8 =	simm.s32 @!p0 $0x1BF5;
	p2 =	por !p2, p0  }
0x20: {  	[sflag:s8] =	ssyncset.s32 @!p0 $0xFFFFF086;
	s6 =	sadd.s32 @!p0 s3, s7;
	s7 =	simm.s32 @!p0 $0x108  }
0x21: {  	s3 =	sadd.s32 s3, s9;
	s6 =	sadd.s32 @!p0 $0x88, s6;
	s7 =	simm.s32 @p2 $0x1082  }
0x22: {  	[simem:s7], [sflag:s8] =	dma.local @!p0 [hbm:s6], $0xF7A  }
0x23: {  	s9 =	sor.u32 $0xD0000000, s2;
	s6 =	simm.s32 $0x108;
	_ =	swait.ge @!p0 [sflag:s8], $0x0  }
0x24: {  	s3 =	sadd.s32 $0x88, s3;
	s6 =	simm.s32 @!p1 $0x1082;
	[sflag:s4] =	ssyncset.s32 $0xFFFFF086  }
0x25: {  	[simem:s6], [sflag:s4] =	dma.local [hbm:s3], $0xF7A  }
0x26: {  	[smem:$0x3F9F] =	sst s1;
	(tag) =	ssettag s2;
	_ =	strace s9  }
0x27: {  	s1 =	sld [smem:$0x3FAF]  }
0x28: {  	s2 =	sld [smem:$0x3FB0]  }
0x29: {  	s4 =	sld [smem:$0x3FB2]  }
0x2a: {  	p0 =	seq.s32 s5, $0x0;
	s5 =	sld [smem:$0x3FB3]  }
0x2b: {  	s6 =	sld [smem:$0x3FB4]  }
0x2c: {  	s7 =	sld [smem:$0x3FB5]  }
0x2d: {  	s3 =	simm.s32 $0x108;
	s8 =	sld [smem:$0x3FB6]  }
0x2e: {  	s3 =	simm.s32 @!p0 $0x1082;
	s9 =	sld [smem:$0x3FB7]  }
0x2f: {  	lr =	sadd.s32 s0, s3;
	s0 =	sld [smem:$0x3FAE]  }
0x30: {  	s3 =	sld [smem:$0x3FB1]  }
0x31: {  	[smem:$0x3FBA] =	sst s10  }
0x32: {  	s10 =	sld [smem:$0x3FB8];
	_ =	sdelay $0x3  }
0x33: {  	p0 =	seq.s32 s10, $0x1;
	s10 =	sld [smem:$0x3FBA];
	_ =	sdelay $0x3  }
0x34: {  	[smem:$0x3FBA] =	sst s10  }
0x35: {  	s10 =	sld [smem:$0x3FB9];
	_ =	sdelay $0x3  }
0x36: {  	p1 =	seq.s32 s10, $0x1;
	s10 =	sld [smem:$0x3FBA];
	_ =	sdelay $0x3  }
0x37: {  	[smem:$0x3FBA] =	sst s10  }
0x38: {  	s10 =	sld [smem:$0x3FBB]  }
0x39: {  	_ = 	snop;
	(pc) =	sbr.ind lr, $3  }
0x3a: {  	_ = 	snop  }
0x3b: {  	_ = 	snop  }
0x3c: {  	p2 =	seq.s32 s10, $0x1;
	s10 =	sld [smem:$0x3FBA]  }
0x3d: {  	_ =	shalt  }
0x3e: {  	_ =	shalt  }
0x3f: {  	_ =	shalt  }
0x40: {  	_ =	shalt  }
0x41: {  	_ =	shalt  }
0x42: {  	_ =	shalt  }
0x43: {  	_ =	shalt  }
0x44: {  	_ =	shalt  }
0x45: {  	_ =	shalt  }
0x46: {  	_ =	shalt  }
0x47: {  	_ =	shalt  }
0x48: {  	_ =	shalt  }
0x49: {  	_ =	shalt  }
0x4a: {  	_ =	shalt  }
0x4b: {  	_ =	shalt  }
0x4c: {  	_ =	shalt  }
0x4d: {  	_ =	shalt  }
0x4e: {  	_ =	shalt  }
0x4f: {  	_ =	shalt  }
0x50: {  	_ =	shalt  }
0x51: {  	_ =	shalt  }
0x52: {  	_ =	shalt  }
0x53: {  	_ =	shalt  }
0x54: {  	_ =	shalt  }
0x55: {  	_ =	shalt  }
0x56: {  	_ =	shalt  }
0x57: {  	_ =	shalt  }
0x58: {  	_ =	shalt  }
0x59: {  	_ =	shalt  }
0x5a: {  	_ =	shalt  }
0x5b: {  	_ =	shalt  }
0x5c: {  	_ =	shalt  }
0x5d: {  	_ =	shalt  }
0x5e: {  	_ =	shalt  }
0x5f: {  	_ =	shalt  }
0x60: {  	_ =	shalt  }
0x61: {  	_ =	shalt  }
0x62: {  	_ =	shalt  }
0x63: {  	_ =	shalt  }
0x64: {  	_ =	shalt  }
0x65: {  	_ =	shalt  }
0x66: {  	_ =	shalt  }
0x67: {  	_ =	shalt  }
0x68: {  	_ =	shalt  }
0x69: {  	_ =	shalt  }
0x6a: {  	_ =	shalt  }
0x6b: {  	_ =	shalt  }
0x6c: {  	_ =	shalt  }
0x6d: {  	_ =	shalt  }
0x6e: {  	_ =	shalt  }
0x6f: {  	_ =	shalt  }
0x70: {  	_ =	shalt  }
0x71: {  	_ =	shalt  }
0x72: {  	_ =	shalt  }
0x73: {  	_ =	shalt  }
0x74: {  	_ =	shalt  }
0x75: {  	_ =	shalt  }
0x76: {  	_ =	shalt  }
0x77: {  	_ =	shalt  }
0x78: {  	_ =	shalt  }
0x79: {  	_ =	shalt  }
0x7a: {  	_ =	shalt  }
0x7b: {  	_ =	shalt  }
0x7c: {  	_ =	shalt  }
0x7d: {  	_ =	shalt  }
0x7e: {  	_ =	shalt  }
0x7f: {  	_ =	shalt  }
0x80: {  	_ =	shalt  }
0x81: {  	_ =	shalt  }
0x82: {  	_ =	shalt  }
0x83: {  	_ =	shalt  }
0x84: {  	_ =	shalt  }
0x85: {  	_ =	shalt  }
0x86: {  	_ =	shalt  }
0x87: {  	_ =	shalt  }
.Lfunc_end0:
.L_simem_size_0:
called_computation_lowered:
.L_overlay_start_0:
0x88: {  	s2 =	sld [smem:$0x3FD9]  }
0x89: {  	s3 =	sld [smem:$0x3FFE];
	_ =	sdelay $0x1  }
0x8a: {  	s1 =	srdreg.scid  }
0x8b: {  	s0 =	sand.u32 $0x1, s1  }
0x8c: {  	s17 =	sshll.u32 s0, $0xA;
	s2 =	sadd.s32 s3, s2  }
0x8d: {  	s2 =	sadd.s32 s2, s17  }
0x8e: {  	[smem:$0x3FC6] =	sst s2  }
0x8f: {  	_ = 	snop  }
0x90: {  	s2 =	sld [smem:$0x3FC9]  }
0x91: {  	s18 =	sld [smem:$0x3FD0];
	(tm) =	ssettm $0x1  }
0x92: {  	s4 =	sld [smem:$0x3FFB];
	_ =	sdelay $0x3  }
0x93: {  	_ =	strace s4  }
0x94: {  	s4 =	sld [smem:$0x3FFC];
	_ =	sdelay $0x3  }
0x95: {  	_ =	strace s4  }
0x96: {  	s4 =	sld [smem:$0x3FFD];
	_ =	sdelay $0x3  }
0x97: {  	_ =	strace s4  }
0x98: {  	_ =	strace $0x8FFFFFFF  }
0x99: {  	s19 =	sld [smem:$0x3FDB];
	_ =	sdelay $0x1  }
0x9a: {  	s5 =	simm.s32 $_scs_section_size  }
0x9b: {  	s6 =	simm.s32 $_size__tile_overlayer_lowered;
	s7 =	simm.s32 $_tile_overlayer_lowered  }
0x9c: {  	s22 =	simm.s32 $0x1BFF;
	s21 =	sshll.u32 s7, $0x1;
	s4 =	sadd.s32 s5, s19  }
0x9d: {  	s8 =	simm.s32 $0x0;
	s20 =	sshll.u32 s6, $0x1;
	s6 =	sadd.s32 s21, s4  }
0x9e: {  	[timem:s8], [sflag:s22] =	dma.local [hbm:s6], s20  }
0x9f: {  	_ =	swait.ge [sflag:s22], s20  }
0xa0: {  	s5 =	ssub.s32 $0x0, s20;
	[sflag:s22] =	ssyncset.done $0x0  }
0xa1: {  	[sflag:s22] =	ssyncadd.s32 s5;
	_ =	sdelay $0x1  }
0xa2: {  	s23 =	simm.s32 $0x1B8B  }
0xa3: {  	_ =	swait.ge [sflag:s23], $0x1  }
0xa4: {  	[sflag:s23] =	ssyncset.done $0x0  }
0xa5: {  	s25 =	simm.s32 $0x1B8E;
	s24 =	sld [smem:$0x3FFE];
	[sflag:s23] =	ssyncadd.s32 $0xFFFFFFFF  }
0xa6: {  	s26 =	simm.s32 $execute0_lowered;
	[smem:$0x3FD2] =	sst s25  }
0xa7: {  	s6 =	sshll.u32 s26, $0x1;
	_ =	strace $0x80000046;
	[dreg:$0x1] =	wrdreg $0xFFFFFFFF  }
0xa8: {  	s28 =	simm.s32 $_size_execute0_lowered;
	s4 =	sadd.s32 s4, s6;
	[dreg:$0x0] =	wrdreg $0x0  }
0xa9: {  	s6 =	sshll.u32 s28, $0x1;
	[dreg:$0x2] =	wrdreg s4  }
0xaa: {  	[dreg:$0x3] =	wrdreg s6  }
0xab: {  	[dreg:$0x4] =	wrdreg $0xC0  }
0xac: {  	_ =	task [dreg:s8], $0x5FFFF  }
0xad: {  	[dreg:$0x1] =	wrdreg $0xFFFFFFFF  }
0xae: {  	[dreg:$0x0] =	wrdreg $0x60  }
0xaf: {  	[dreg:$0x2] =	wrdreg s2  }
0xb0: {  	[dreg:$0x3] =	wrdreg s24  }
0xb1: {  	[dreg:$0x4] =	wrdreg s18  }
0xb2: {  	[dreg:$0x5] =	wrdreg $0x9  }
0xb3: {  	_ =	task.clear_ibuf [dreg:s8], $0x6FFFF;
	_ =	strace $0x90000046  }
0xb4: {  	s29 =	simm.s32 $0x9;
	_ =	strace $0x80000048  }
0xb5: {  	_ =	swait.ge [sflag:s29], $0x1  }
0xb6: {  	[sflag:s29] =	ssyncadd.s32 $0xFFFFFFFF  }
0xb7: {  	_ =	strace $0x90000048  }
0xb8: {  	_ =	sfence  }
0xb9: {  	s30 =	sld [smem:$0x0];
	_ =	sdelay $0x2  }
0xba: {  	s31 =	sshll.u32 s1, $0xD;
	s1 =	sshrl.u32 s1, $0x2  }
0xbb: {  	s3 =	sand.u32 $0x4000, s31;
	s1 =	sadd.s32 s1, s30  }
0xbc: {  	s0 =	sor.u32 s3, s0;
	s1 =	sshll.u32 s1, $0x11  }
0xbd: {  	s0 =	sor.u32 s1, s0  }
0xbe: {  	s0 =	sadd.s32 $0x8F2B, s0  }
0xbf: {  	[sflag:s0] =	ssyncadd.remote.s32 $0x1  }
0xc0: {  	_ =	sfence.sel $0xFFFF  }
0xc1: {  	[dreg:$0x0] =	wrdreg $0xFFFFFFFF;
	(pc) =	sbr.abs _section_cstart, $3  }
0xc2: {  	[dreg:$0x1] =	wrdreg $0xFFFFFFFF  }
0xc3: {  	_ =	task.clear_ibuf [dreg:s8], $0x2FFFF;
	_ =	strace $0x9FFFFFFF  }
0xc4: {  	(tm) =	ssettm $0x7FFFFFFF  }
0xc5: {  	_ =	shalt  }
tec
execute0_lowered:
.L_overlay_start_1:
0x0: {  	(tag) =	ssettag $0x1  }
0x1: {  	s0 =	rddreg [dreg:$0x0];
	s1 =	srdreg.scid  }
0x2: {  	s2 =	stileid.u32;
	s3 =	rddreg [dreg:$0x1]  }
0x3: {  	s6 =	simm.s32 $0x0;
	s14 =	simm.s32 $0x9;
	s15 =	simm.s32 $0x200  }
0x4: {  	s16 =	simm.s32 $0x400;
	s17 =	simm.s32 $0x600;
	s18 =	simm.s32 $0x4600  }
0x5: {  	s19 =	simm.s32 $0x8600;
	s20 =	simm.s32 $0xC600;
	s21 =	simm.s32 $0x1  }
0x6: {  	s22 =	simm.s32 $0x2;
	s23 =	simm.s32 $0x3;
	s24 =	simm.s32 $0x4  }
0x7: {  	s28 =	simm.s32 $0x7;
	s29 =	simm.s32 $0x8;
	s30 =	simm.s32 $0x0  }
0x8: {  	s1 =	sand.u32 $0x1, s1;
	s4 =	sshll.u32 s2, $0x1;
	s2 =	rddreg [dreg:$0x2]  }
0x9: {  	[smem:$0x7FF] =	sst s6;
	s10 =	sadd.s32 $0x2000, s0;
	s4 =	sor.u32 s1, s4  }
0xa: {  	s12 =	sadd.s32 $0x2040, s0;
	s1 =	ssub.s32 $0x2, s1;
	s5 =	smul.u32 $0xC0, s4  }
0xb: {  	_ =	strace $0x80000047;
	s11 =	sadd.s32 $0x40, s2;
	s4 =	smul.u32 $0xC000, s4  }
.Ltmp0:
0xc: {  	s25 =	sshrl.u32 s1, $0x1;
	s3 =	sadd.s32 s5, s3;
	(pc) =	sbr.rel .LBB2_1-.Ltmp0, $4  }
0xd: {  	s1 =	ssub.s32 s1, s25;
	s5 =	sadd.s32 s0, s4;
	s3 =	sadd.s32 $0x1600, s3  }
0xe: {  	s25 =	simm.s32 $0x5;
	s26 =	sadd.s32 $0x40, s5;
	[dreg:$0x4] =	wrdreg s3  }
0xf: {  	s13 =	smax.u32 s1, $0x1;
	s31 =	sadd.s32 $0x1000, s5;
	[dreg:$0x5] =	wrdreg s26  }
0x10: {  	s9 =	sadd.s32 $0x1040, s5;
	[dreg:$0x6] =	wrdreg s31;
	s26 =	simm.s32 $0x6  }
.LBB2_36:
0x11: {  	_ =	swait.ge [sflag:s25], $0x4000  }
0x12: {  	[sflag:s25] =	ssyncset.done $0x0  }
0x13: {  	[sflag:s25] =	ssyncadd.s32 $0xFFFFC000  }
0x14: {  	_ =	swait.ge [sflag:s26], $0x4000  }
0x15: {  	[sflag:s26] =	ssyncset.done $0x0  }
0x16: {  	s30 =	sadd.s32 $0x1, s30;
	[sflag:s26] =	ssyncadd.s32 $0xFFFFC000  }
0x17: {  	p0 =	sne.s32 s30, s13;
	_ =	swait.ge [sflag:s28], $0x4000  }
.Ltmp1:
0x18: {  	[sflag:s28] =	ssyncset.done $0x0;
	(pc) =	sbr.rel @!p0 .LBB2_37-.Ltmp1, $4  }
0x19: {  	[sflag:s28] =	ssyncadd.s32 $0xFFFFC000  }
0x1a: {  	_ =	swait.ge [sflag:s29], $0x4000  }
0x1b: {  	[sflag:s29] =	ssyncset.done $0x0  }
0x1c: {  	[sflag:s29] =	ssyncadd.s32 $0xFFFFC000  }
.LBB2_1:
0x1d: {  	s0 =	simm.s32 $0x0;
	s1 =	rddreg [dreg:$0x4]  }
0x1e: {  	[tilespmem:s0], [sflag:$0x9] =	stream.linear.gather [hbm4b:s1+s0], $0x600, $0x38;
	[tilespmem:$0x10600] =	vst v63  }
0x1f: {  	_ =	swait.ge [sflag:s14], $0x600  }
0x20: {  	[sflag:s14] =	ssyncset.done $0x0  }
0x21: {  	[sflag:s14] =	ssyncadd.s32 $0xFFFFFA00  }
0x22: {  	[tilespmem:s17], [sflag:$0x1] =	stream.strided.gather [hbm4b:s5+s15], $0x4000, s16, s15, $0x38;
	[tilespmem:$0x10600] =	vst v63  }
0x23: {  	s7 =	rddreg [dreg:$0x5]  }
0x24: {  	[tilespmem:s18], [sflag:$0x2] =	stream.strided.gather [hbm4b:s7+s15], $0x4000, s16, s15, $0x38;
	[tilespmem:$0x10600] =	vst v63  }
0x25: {  	s8 =	rddreg [dreg:$0x6]  }
0x26: {  	[tilespmem:s19], [sflag:$0x3] =	stream.strided.gather [hbm4b:s8+s15], $0x4000, s16, s15, $0x38;
	[tilespmem:$0x10600] =	vst v63  }
0x27: {  	s31 =	simm.s32 $0x0  }
0x28: {  	[tilespmem:s20], [sflag:$0x4] =	stream.strided.gather [hbm4b:s9+s15], $0x4000, s16, s15, $0x38;
	[tilespmem:$0x10600] =	vst v63  }
.LBB2_2:
0x29: {  	_ =	swait.ge [sflag:s21], $0x4000  }
0x2a: {  	s0 =	sshll.u32 s31, $0x8;
	[sflag:s21] =	ssyncset.done $0x0  }
0x2b: {  	s1 =	sand.u32 $0x3FFFFF00, s0;
	[sflag:s21] =	ssyncadd.s32 $0xFFFFC000  }
0x2c: {  	s0 =	simm.s32 $0x640;
	v0 =	vld [tilespmem:s1+$0x0]  }
0x2d: {  	v3 =	vld [tilespmem:s0+$0x30]  }
0x2e: {  	v5 =	vld [tilespmem:s0+$0xFFFFFFD0]  }
0x2f: {  	v7 =	vld [tilespmem:s0+$0xFFFFFFE0]  }
0x30: {  	v4 =	vld [tilespmem:s0+$0xFFFFFFF0]  }
0x31: {  	v2 =	vld [tilespmem:s0+$0x0]  }
0x32: {  	v1 =	vld [tilespmem:s0+$0x10];
	v8 =	vadd.f32 v3, v0  }
0x33: {  	v3 =	vld [tilespmem:s0+$0x20];
	v6 =	vadd.f32 v5, v0  }
0x34: {  	s3 =	simm.s32 $0x0;
	s6 =	simm.s32 $0x840;
	v5 =	vld [tilespmem:s0+$0xFFFFFFC0];
	v7 =	vadd.f32 v7, v0;
	[tilespmem:s0+$0x30] =	vst v8  }
.LBB2_3:
0x35: {  	v8 =	vld [tilespmem:s6+$0x30];
	s3 =	sadd.s32 $0x80, s3;
	[tilespmem:s0+$0xFFFFFFD0] =	vst v6;
	v4 =	vadd.f32 v4, v0  }
0x36: {  	v6 =	vld [tilespmem:s6+$0xFFFFFFD0];
	p0 =	slt.u32 s3, $0xF80;
	[tilespmem:s0+$0xFFFFFFE0] =	vst v7;
	v2 =	vadd.f32 v2, v0  }
0x37: {  	v7 =	vld [tilespmem:s6+$0xFFFFFFE0];
	[tilespmem:s0+$0xFFFFFFF0] =	vst v4;
	v1 =	vadd.f32 v1, v0  }
.Ltmp2:
0x38: {  	v4 =	vld [tilespmem:s6+$0xFFFFFFF0];
	[tilespmem:s0+$0x0] =	vst v2;
	v3 =	vadd.f32 v3, v0;
	(pc) =	sbr.rel @p0 .LBB2_3-.Ltmp2, $4  }
0x39: {  	v2 =	vld [tilespmem:s6+$0x0];
	v5 =	vadd.f32 v5, v0;
	[tilespmem:s0+$0x10] =	vst v1  }
0x3a: {  	v1 =	vld [tilespmem:s6+$0x10];
	v8 =	vadd.f32 v8, v0;
	[tilespmem:s0+$0x20] =	vst v3  }
0x3b: {  	v6 =	vadd.f32 v6, v0;
	v3 =	vld [tilespmem:s6+$0x20];
	[tilespmem:s0+$0xFFFFFFC0] =	vst v5;
	s0 =	smov.u32 s6  }
0x3c: {  	s6 =	sadd.s32 $0x200, s6;
	v5 =	vld [tilespmem:s0+$0xFFFFFFC0];
	v7 =	vadd.f32 v7, v0;
	[tilespmem:s0+$0x30] =	vst v8  }
0x3d: {  	[tilespmem:s0+$0xFFFFFFD0] =	vst v6;
	v4 =	vadd.f32 v4, v0  }
0x3e: {  	[tilespmem:s0+$0xFFFFFFE0] =	vst v7;
	v2 =	vadd.f32 v2, v0  }
0x3f: {  	[tilespmem:s0+$0xFFFFFFF0] =	vst v4;
	v1 =	vadd.f32 v1, v0  }
0x40: {  	[tilespmem:s0+$0x0] =	vst v2;
	v2 =	vadd.f32 v3, v0  }
0x41: {  	v0 =	vadd.f32 v5, v0;
	[tilespmem:s0+$0x10] =	vst v1  }
0x42: {  	[tilespmem:s0+$0x20] =	vst v2  }
0x43: {  	[tilespmem:s0+$0xFFFFFFC0] =	vst v0  }
0x44: {  	s0 =	simm.s32 $0x6F0;
	v0 =	vld [tilespmem:s1+$0x10]  }
0x45: {  	v3 =	vld [tilespmem:s0+$0x0]  }
0x46: {  	v5 =	vld [tilespmem:s0+$0xFFFFFFA0]  }
0x47: {  	v7 =	vld [tilespmem:s0+$0xFFFFFFB0]  }
0x48: {  	v4 =	vld [tilespmem:s0+$0xFFFFFFC0]  }
0x49: {  	v2 =	vld [tilespmem:s0+$0xFFFFFFD0]  }
0x4a: {  	v1 =	vld [tilespmem:s0+$0xFFFFFFE0];
	v8 =	vadd.f32 v3, v0  }
0x4b: {  	v3 =	vld [tilespmem:s0+$0xFFFFFFF0];
	v6 =	vadd.f32 v5, v0  }
0x4c: {  	s3 =	simm.s32 $0x0;
	s6 =	simm.s32 $0x8F0;
	v5 =	vld [tilespmem:s0+$0xFFFFFF90];
	v7 =	vadd.f32 v7, v0;
	[tilespmem:s0+$0x0] =	vst v8  }
.LBB2_5:
0x4d: {  	v8 =	vld [tilespmem:s6+$0x0];
	s3 =	sadd.s32 $0x80, s3;
	[tilespmem:s0+$0xFFFFFFA0] =	vst v6;
	v4 =	vadd.f32 v4, v0  }
0x4e: {  	v6 =	vld [tilespmem:s6+$0xFFFFFFA0];
	p0 =	slt.u32 s3, $0xF80;
	[tilespmem:s0+$0xFFFFFFB0] =	vst v7;
	v2 =	vadd.f32 v2, v0  }
0x4f: {  	v7 =	vld [tilespmem:s6+$0xFFFFFFB0];
	[tilespmem:s0+$0xFFFFFFC0] =	vst v4;
	v1 =	vadd.f32 v1, v0  }
.Ltmp3:
0x50: {  	v4 =	vld [tilespmem:s6+$0xFFFFFFC0];
	[tilespmem:s0+$0xFFFFFFD0] =	vst v2;
	v3 =	vadd.f32 v3, v0;
	(pc) =	sbr.rel @p0 .LBB2_5-.Ltmp3, $4  }
0x51: {  	v2 =	vld [tilespmem:s6+$0xFFFFFFD0];
	v5 =	vadd.f32 v5, v0;
	[tilespmem:s0+$0xFFFFFFE0] =	vst v1  }
0x52: {  	v1 =	vld [tilespmem:s6+$0xFFFFFFE0];
	v8 =	vadd.f32 v8, v0;
	[tilespmem:s0+$0xFFFFFFF0] =	vst v3  }
0x53: {  	v6 =	vadd.f32 v6, v0;
	v3 =	vld [tilespmem:s6+$0xFFFFFFF0];
	[tilespmem:s0+$0xFFFFFF90] =	vst v5;
	s0 =	smov.u32 s6  }
0x54: {  	s6 =	sadd.s32 $0x200, s6;
	v5 =	vld [tilespmem:s0+$0xFFFFFF90];
	v7 =	vadd.f32 v7, v0;
	[tilespmem:s0+$0x0] =	vst v8  }
0x55: {  	[tilespmem:s0+$0xFFFFFFA0] =	vst v6;
	v4 =	vadd.f32 v4, v0  }
0x56: {  	[tilespmem:s0+$0xFFFFFFB0] =	vst v7;
	v2 =	vadd.f32 v2, v0  }
0x57: {  	[tilespmem:s0+$0xFFFFFFC0] =	vst v4;
	v1 =	vadd.f32 v1, v0  }
0x58: {  	[tilespmem:s0+$0xFFFFFFD0] =	vst v2;
	v2 =	vadd.f32 v3, v0  }
0x59: {  	v0 =	vadd.f32 v5, v0;
	[tilespmem:s0+$0xFFFFFFE0] =	vst v1  }
0x5a: {  	[tilespmem:s0+$0xFFFFFFF0] =	vst v2  }
0x5b: {  	[tilespmem:s0+$0xFFFFFF90] =	vst v0  }
0x5c: {  	s0 =	simm.s32 $0x770;
	v0 =	vld [tilespmem:s1+$0x20]  }
0x5d: {  	v3 =	vld [tilespmem:s0+$0x0]  }
0x5e: {  	v5 =	vld [tilespmem:s0+$0xFFFFFFA0]  }
0x5f: {  	v7 =	vld [tilespmem:s0+$0xFFFFFFB0]  }
0x60: {  	v4 =	vld [tilespmem:s0+$0xFFFFFFC0]  }
0x61: {  	v2 =	vld [tilespmem:s0+$0xFFFFFFD0]  }
0x62: {  	v1 =	vld [tilespmem:s0+$0xFFFFFFE0];
	v8 =	vadd.f32 v3, v0  }
0x63: {  	v3 =	vld [tilespmem:s0+$0xFFFFFFF0];
	v6 =	vadd.f32 v5, v0  }
0x64: {  	s3 =	simm.s32 $0x0;
	s6 =	simm.s32 $0x970;
	v5 =	vld [tilespmem:s0+$0xFFFFFF90];
	v7 =	vadd.f32 v7, v0;
	[tilespmem:s0+$0x0] =	vst v8  }
.LBB2_7:
0x65: {  	v8 =	vld [tilespmem:s6+$0x0];
	s3 =	sadd.s32 $0x80, s3;
	[tilespmem:s0+$0xFFFFFFA0] =	vst v6;
	v4 =	vadd.f32 v4, v0  }
0x66: {  	v6 =	vld [tilespmem:s6+$0xFFFFFFA0];
	p0 =	slt.u32 s3, $0xF80;
	[tilespmem:s0+$0xFFFFFFB0] =	vst v7;
	v2 =	vadd.f32 v2, v0  }
0x67: {  	v7 =	vld [tilespmem:s6+$0xFFFFFFB0];
	[tilespmem:s0+$0xFFFFFFC0] =	vst v4;
	v1 =	vadd.f32 v1, v0  }
.Ltmp4:
0x68: {  	v4 =	vld [tilespmem:s6+$0xFFFFFFC0];
	[tilespmem:s0+$0xFFFFFFD0] =	vst v2;
	v3 =	vadd.f32 v3, v0;
	(pc) =	sbr.rel @p0 .LBB2_7-.Ltmp4, $4  }
0x69: {  	v2 =	vld [tilespmem:s6+$0xFFFFFFD0];
	v5 =	vadd.f32 v5, v0;
	[tilespmem:s0+$0xFFFFFFE0] =	vst v1  }
0x6a: {  	v1 =	vld [tilespmem:s6+$0xFFFFFFE0];
	v8 =	vadd.f32 v8, v0;
	[tilespmem:s0+$0xFFFFFFF0] =	vst v3  }
0x6b: {  	v6 =	vadd.f32 v6, v0;
	v3 =	vld [tilespmem:s6+$0xFFFFFFF0];
	[tilespmem:s0+$0xFFFFFF90] =	vst v5;
	s0 =	smov.u32 s6  }
0x6c: {  	s6 =	sadd.s32 $0x200, s6;
	v5 =	vld [tilespmem:s0+$0xFFFFFF90];
	v7 =	vadd.f32 v7, v0;
	[tilespmem:s0+$0x0] =	vst v8  }
0x6d: {  	[tilespmem:s0+$0xFFFFFFA0] =	vst v6;
	v4 =	vadd.f32 v4, v0  }
0x6e: {  	[tilespmem:s0+$0xFFFFFFB0] =	vst v7;
	v2 =	vadd.f32 v2, v0  }
0x6f: {  	[tilespmem:s0+$0xFFFFFFC0] =	vst v4;
	v1 =	vadd.f32 v1, v0  }
0x70: {  	[tilespmem:s0+$0xFFFFFFD0] =	vst v2;
	v2 =	vadd.f32 v3, v0  }
0x71: {  	v0 =	vadd.f32 v5, v0;
	[tilespmem:s0+$0xFFFFFFE0] =	vst v1  }
0x72: {  	[tilespmem:s0+$0xFFFFFFF0] =	vst v2  }
0x73: {  	[tilespmem:s0+$0xFFFFFF90] =	vst v0  }
0x74: {  	s3 =	simm.s32 $0x7F0;
	v0 =	vld [tilespmem:s1+$0x30]  }
0x75: {  	v3 =	vld [tilespmem:s3+$0x0]  }
0x76: {  	v5 =	vld [tilespmem:s3+$0xFFFFFFA0]  }
0x77: {  	v7 =	vld [tilespmem:s3+$0xFFFFFFB0]  }
0x78: {  	v4 =	vld [tilespmem:s3+$0xFFFFFFC0]  }
0x79: {  	v2 =	vld [tilespmem:s3+$0xFFFFFFD0]  }
0x7a: {  	v1 =	vld [tilespmem:s3+$0xFFFFFFE0];
	v8 =	vadd.f32 v3, v0  }
0x7b: {  	v3 =	vld [tilespmem:s3+$0xFFFFFFF0];
	v6 =	vadd.f32 v5, v0  }
0x7c: {  	s6 =	simm.s32 $0x9F0;
	s0 =	simm.s32 $0x0;
	v5 =	vld [tilespmem:s3+$0xFFFFFF90];
	v7 =	vadd.f32 v7, v0;
	[tilespmem:s3+$0x0] =	vst v8  }
.LBB2_9:
0x7d: {  	v8 =	vld [tilespmem:s6+$0x0];
	s0 =	sadd.s32 $0x80, s0;
	[tilespmem:s3+$0xFFFFFFA0] =	vst v6;
	v4 =	vadd.f32 v4, v0  }
0x7e: {  	v6 =	vld [tilespmem:s6+$0xFFFFFFA0];
	p0 =	slt.u32 s0, $0xF80;
	[tilespmem:s3+$0xFFFFFFB0] =	vst v7;
	v2 =	vadd.f32 v2, v0  }
0x7f: {  	v7 =	vld [tilespmem:s6+$0xFFFFFFB0];
	[tilespmem:s3+$0xFFFFFFC0] =	vst v4;
	v1 =	vadd.f32 v1, v0  }
.Ltmp5:
0x80: {  	v4 =	vld [tilespmem:s6+$0xFFFFFFC0];
	[tilespmem:s3+$0xFFFFFFD0] =	vst v2;
	v3 =	vadd.f32 v3, v0;
	(pc) =	sbr.rel @p0 .LBB2_9-.Ltmp5, $4  }
0x81: {  	v2 =	vld [tilespmem:s6+$0xFFFFFFD0];
	v5 =	vadd.f32 v5, v0;
	[tilespmem:s3+$0xFFFFFFE0] =	vst v1  }
0x82: {  	v1 =	vld [tilespmem:s6+$0xFFFFFFE0];
	v8 =	vadd.f32 v8, v0;
	[tilespmem:s3+$0xFFFFFFF0] =	vst v3  }
0x83: {  	v6 =	vadd.f32 v6, v0;
	v3 =	vld [tilespmem:s6+$0xFFFFFFF0];
	[tilespmem:s3+$0xFFFFFF90] =	vst v5;
	s3 =	smov.u32 s6  }
0x84: {  	s6 =	sadd.s32 $0x200, s6;
	v5 =	vld [tilespmem:s3+$0xFFFFFF90];
	v7 =	vadd.f32 v7, v0;
	[tilespmem:s3+$0x0] =	vst v8  }
0x85: {  	[tilespmem:s3+$0xFFFFFFA0] =	vst v6;
	v4 =	vadd.f32 v4, v0  }
0x86: {  	[tilespmem:s3+$0xFFFFFFB0] =	vst v7;
	v2 =	vadd.f32 v2, v0  }
0x87: {  	[tilespmem:s3+$0xFFFFFFC0] =	vst v4;
	v1 =	vadd.f32 v1, v0  }
0x88: {  	[tilespmem:s3+$0xFFFFFFD0] =	vst v2;
	v2 =	vadd.f32 v3, v0  }
0x89: {  	s0 =	sshll.u32 s31, $0xD;
	v0 =	vadd.f32 v5, v0;
	[tilespmem:s3+$0xFFFFFFE0] =	vst v1  }
0x8a: {  	p0 =	seq.s32 s31, $0x5;
	s0 =	sadd.s32 s4, s0;
	[tilespmem:s3+$0xFFFFFFF0] =	vst v2  }
0x8b: {  	s8 =	sadd.s32 s2, s0;
	[tilespmem:s3+$0xFFFFFF90] =	vst v0;
	s3 =	simm.s32 @!p0 $0x5  }
0x8c: {  	[hbm4b:s8+s15] =	stream.strided.scatter [tilespmem:s17], [sflag:$0x5], $0x4000, s16, s15, $0x38;
	[tilespmem:$0x10600] =	vst v63  }
0x8d: {  	_ =	swait.ge @!p0 [sflag:s3], $0x4000  }
0x8e: {  	s6 =	simm.s32 @!p0 $0x200;
	s7 =	simm.s32 @!p0 $0x400;
	[sflag:s3] =	ssyncset.done @!p0 $0x0  }
0x8f: {  	s8 =	simm.s32 @!p0 $0x600;
	[sflag:s3] =	ssyncadd.s32 @!p0 $0xFFFFC000;
	s3 =	sadd.s32 @!p0 s0, s10  }
0x90: {  	[tilespmem:s8], [sflag:$0x1] =	stream.strided.gather @!p0 [hbm4b:s3+s6], $0x4000, s7, s6, $0x38;
	[tilespmem:$0x10600] =	vst v63  }
0x91: {  	_ =	swait.ge [sflag:s22], $0x4000  }
0x92: {  	[sflag:s22] =	ssyncset.done $0x0  }
0x93: {  	[sflag:s22] =	ssyncadd.s32 $0xFFFFC000  }
0x94: {  	s3 =	simm.s32 $0x4670;
	v0 =	vld [tilespmem:s1+$0x40]  }
0x95: {  	v3 =	vld [tilespmem:s3+$0x0]  }
0x96: {  	v5 =	vld [tilespmem:s3+$0xFFFFFFA0]  }
0x97: {  	v7 =	vld [tilespmem:s3+$0xFFFFFFB0]  }
0x98: {  	v4 =	vld [tilespmem:s3+$0xFFFFFFC0]  }
0x99: {  	v2 =	vld [tilespmem:s3+$0xFFFFFFD0]  }
0x9a: {  	v1 =	vld [tilespmem:s3+$0xFFFFFFE0];
	v8 =	vadd.f32 v3, v0  }
0x9b: {  	v3 =	vld [tilespmem:s3+$0xFFFFFFF0];
	v6 =	vadd.f32 v5, v0  }
0x9c: {  	s6 =	simm.s32 $0x0;
	s7 =	simm.s32 $0x4870;
	v5 =	vld [tilespmem:s3+$0xFFFFFF90];
	v7 =	vadd.f32 v7, v0;
	[tilespmem:s3+$0x0] =	vst v8  }
.LBB2_11:
0x9d: {  	v8 =	vld [tilespmem:s7+$0x0];
	s6 =	sadd.s32 $0x80, s6;
	[tilespmem:s3+$0xFFFFFFA0] =	vst v6;
	v4 =	vadd.f32 v4, v0  }
0x9e: {  	v6 =	vld [tilespmem:s7+$0xFFFFFFA0];
	p1 =	slt.u32 s6, $0xF80;
	[tilespmem:s3+$0xFFFFFFB0] =	vst v7;
	v2 =	vadd.f32 v2, v0  }
0x9f: {  	v7 =	vld [tilespmem:s7+$0xFFFFFFB0];
	[tilespmem:s3+$0xFFFFFFC0] =	vst v4;
	v1 =	vadd.f32 v1, v0  }
.Ltmp6:
0xa0: {  	v4 =	vld [tilespmem:s7+$0xFFFFFFC0];
	[tilespmem:s3+$0xFFFFFFD0] =	vst v2;
	v3 =	vadd.f32 v3, v0;
	(pc) =	sbr.rel @p1 .LBB2_11-.Ltmp6, $4  }
0xa1: {  	v2 =	vld [tilespmem:s7+$0xFFFFFFD0];
	v5 =	vadd.f32 v5, v0;
	[tilespmem:s3+$0xFFFFFFE0] =	vst v1  }
0xa2: {  	v1 =	vld [tilespmem:s7+$0xFFFFFFE0];
	v8 =	vadd.f32 v8, v0;
	[tilespmem:s3+$0xFFFFFFF0] =	vst v3  }
0xa3: {  	v6 =	vadd.f32 v6, v0;
	v3 =	vld [tilespmem:s7+$0xFFFFFFF0];
	[tilespmem:s3+$0xFFFFFF90] =	vst v5;
	s3 =	smov.u32 s7  }
0xa4: {  	s7 =	sadd.s32 $0x200, s7;
	v5 =	vld [tilespmem:s3+$0xFFFFFF90];
	v7 =	vadd.f32 v7, v0;
	[tilespmem:s3+$0x0] =	vst v8  }
0xa5: {  	[tilespmem:s3+$0xFFFFFFA0] =	vst v6;
	v4 =	vadd.f32 v4, v0  }
0xa6: {  	[tilespmem:s3+$0xFFFFFFB0] =	vst v7;
	v2 =	vadd.f32 v2, v0  }
0xa7: {  	[tilespmem:s3+$0xFFFFFFC0] =	vst v4;
	v1 =	vadd.f32 v1, v0  }
0xa8: {  	[tilespmem:s3+$0xFFFFFFD0] =	vst v2;
	v2 =	vadd.f32 v3, v0  }
0xa9: {  	v0 =	vadd.f32 v5, v0;
	[tilespmem:s3+$0xFFFFFFE0] =	vst v1  }
0xaa: {  	[tilespmem:s3+$0xFFFFFFF0] =	vst v2  }
0xab: {  	[tilespmem:s3+$0xFFFFFF90] =	vst v0  }
0xac: {  	s3 =	simm.s32 $0x46F0;
	v0 =	vld [tilespmem:s1+$0x50]  }
0xad: {  	v3 =	vld [tilespmem:s3+$0x0]  }
0xae: {  	v5 =	vld [tilespmem:s3+$0xFFFFFFA0]  }
0xaf: {  	v7 =	vld [tilespmem:s3+$0xFFFFFFB0]  }
0xb0: {  	v4 =	vld [tilespmem:s3+$0xFFFFFFC0]  }
0xb1: {  	v2 =	vld [tilespmem:s3+$0xFFFFFFD0]  }
0xb2: {  	v1 =	vld [tilespmem:s3+$0xFFFFFFE0];
	v8 =	vadd.f32 v3, v0  }
0xb3: {  	v3 =	vld [tilespmem:s3+$0xFFFFFFF0];
	v6 =	vadd.f32 v5, v0  }
0xb4: {  	s6 =	simm.s32 $0x0;
	s7 =	simm.s32 $0x48F0;
	v5 =	vld [tilespmem:s3+$0xFFFFFF90];
	v7 =	vadd.f32 v7, v0;
	[tilespmem:s3+$0x0] =	vst v8  }
.LBB2_13:
0xb5: {  	v8 =	vld [tilespmem:s7+$0x0];
	s6 =	sadd.s32 $0x80, s6;
	[tilespmem:s3+$0xFFFFFFA0] =	vst v6;
	v4 =	vadd.f32 v4, v0  }
0xb6: {  	v6 =	vld [tilespmem:s7+$0xFFFFFFA0];
	p1 =	slt.u32 s6, $0xF80;
	[tilespmem:s3+$0xFFFFFFB0] =	vst v7;
	v2 =	vadd.f32 v2, v0  }
0xb7: {  	v7 =	vld [tilespmem:s7+$0xFFFFFFB0];
	[tilespmem:s3+$0xFFFFFFC0] =	vst v4;
	v1 =	vadd.f32 v1, v0  }
.Ltmp7:
0xb8: {  	v4 =	vld [tilespmem:s7+$0xFFFFFFC0];
	[tilespmem:s3+$0xFFFFFFD0] =	vst v2;
	v3 =	vadd.f32 v3, v0;
	(pc) =	sbr.rel @p1 .LBB2_13-.Ltmp7, $4  }
0xb9: {  	v2 =	vld [tilespmem:s7+$0xFFFFFFD0];
	v5 =	vadd.f32 v5, v0;
	[tilespmem:s3+$0xFFFFFFE0] =	vst v1  }
0xba: {  	v1 =	vld [tilespmem:s7+$0xFFFFFFE0];
	v8 =	vadd.f32 v8, v0;
	[tilespmem:s3+$0xFFFFFFF0] =	vst v3  }
0xbb: {  	v6 =	vadd.f32 v6, v0;
	v3 =	vld [tilespmem:s7+$0xFFFFFFF0];
	[tilespmem:s3+$0xFFFFFF90] =	vst v5;
	s3 =	smov.u32 s7  }
0xbc: {  	s7 =	sadd.s32 $0x200, s7;
	v5 =	vld [tilespmem:s3+$0xFFFFFF90];
	v7 =	vadd.f32 v7, v0;
	[tilespmem:s3+$0x0] =	vst v8  }
0xbd: {  	[tilespmem:s3+$0xFFFFFFA0] =	vst v6;
	v4 =	vadd.f32 v4, v0  }
0xbe: {  	[tilespmem:s3+$0xFFFFFFB0] =	vst v7;
	v2 =	vadd.f32 v2, v0  }
0xbf: {  	[tilespmem:s3+$0xFFFFFFC0] =	vst v4;
	v1 =	vadd.f32 v1, v0  }
0xc0: {  	[tilespmem:s3+$0xFFFFFFD0] =	vst v2;
	v2 =	vadd.f32 v3, v0  }
0xc1: {  	v0 =	vadd.f32 v5, v0;
	[tilespmem:s3+$0xFFFFFFE0] =	vst v1  }
0xc2: {  	[tilespmem:s3+$0xFFFFFFF0] =	vst v2  }
0xc3: {  	[tilespmem:s3+$0xFFFFFF90] =	vst v0  }
0xc4: {  	s3 =	simm.s32 $0x4770;
	v0 =	vld [tilespmem:s1+$0x60]  }
0xc5: {  	v3 =	vld [tilespmem:s3+$0x0]  }
0xc6: {  	v5 =	vld [tilespmem:s3+$0xFFFFFFA0]  }
0xc7: {  	v7 =	vld [tilespmem:s3+$0xFFFFFFB0]  }
0xc8: {  	v4 =	vld [tilespmem:s3+$0xFFFFFFC0]  }
0xc9: {  	v2 =	vld [tilespmem:s3+$0xFFFFFFD0]  }
0xca: {  	v1 =	vld [tilespmem:s3+$0xFFFFFFE0];
	v8 =	vadd.f32 v3, v0  }
0xcb: {  	v3 =	vld [tilespmem:s3+$0xFFFFFFF0];
	v6 =	vadd.f32 v5, v0  }
0xcc: {  	s6 =	simm.s32 $0x0;
	s7 =	simm.s32 $0x4970;
	v5 =	vld [tilespmem:s3+$0xFFFFFF90];
	v7 =	vadd.f32 v7, v0;
	[tilespmem:s3+$0x0] =	vst v8  }
.LBB2_15:
0xcd: {  	v8 =	vld [tilespmem:s7+$0x0];
	s6 =	sadd.s32 $0x80, s6;
	[tilespmem:s3+$0xFFFFFFA0] =	vst v6;
	v4 =	vadd.f32 v4, v0  }
0xce: {  	v6 =	vld [tilespmem:s7+$0xFFFFFFA0];
	p1 =	slt.u32 s6, $0xF80;
	[tilespmem:s3+$0xFFFFFFB0] =	vst v7;
	v2 =	vadd.f32 v2, v0  }
0xcf: {  	v7 =	vld [tilespmem:s7+$0xFFFFFFB0];
	[tilespmem:s3+$0xFFFFFFC0] =	vst v4;
	v1 =	vadd.f32 v1, v0  }
.Ltmp8:
0xd0: {  	v4 =	vld [tilespmem:s7+$0xFFFFFFC0];
	[tilespmem:s3+$0xFFFFFFD0] =	vst v2;
	v3 =	vadd.f32 v3, v0;
	(pc) =	sbr.rel @p1 .LBB2_15-.Ltmp8, $4  }
0xd1: {  	v2 =	vld [tilespmem:s7+$0xFFFFFFD0];
	v5 =	vadd.f32 v5, v0;
	[tilespmem:s3+$0xFFFFFFE0] =	vst v1  }
0xd2: {  	v1 =	vld [tilespmem:s7+$0xFFFFFFE0];
	v8 =	vadd.f32 v8, v0;
	[tilespmem:s3+$0xFFFFFFF0] =	vst v3  }
0xd3: {  	v6 =	vadd.f32 v6, v0;
	v3 =	vld [tilespmem:s7+$0xFFFFFFF0];
	[tilespmem:s3+$0xFFFFFF90] =	vst v5;
	s3 =	smov.u32 s7  }
0xd4: {  	s7 =	sadd.s32 $0x200, s7;
	v5 =	vld [tilespmem:s3+$0xFFFFFF90];
	v7 =	vadd.f32 v7, v0;
	[tilespmem:s3+$0x0] =	vst v8  }
0xd5: {  	[tilespmem:s3+$0xFFFFFFA0] =	vst v6;
	v4 =	vadd.f32 v4, v0  }
0xd6: {  	[tilespmem:s3+$0xFFFFFFB0] =	vst v7;
	v2 =	vadd.f32 v2, v0  }
0xd7: {  	[tilespmem:s3+$0xFFFFFFC0] =	vst v4;
	v1 =	vadd.f32 v1, v0  }
0xd8: {  	[tilespmem:s3+$0xFFFFFFD0] =	vst v2;
	v2 =	vadd.f32 v3, v0  }
0xd9: {  	v0 =	vadd.f32 v5, v0;
	[tilespmem:s3+$0xFFFFFFE0] =	vst v1  }
0xda: {  	[tilespmem:s3+$0xFFFFFFF0] =	vst v2  }
0xdb: {  	[tilespmem:s3+$0xFFFFFF90] =	vst v0  }
0xdc: {  	v0 =	vld [tilespmem:s1+$0x70];
	s1 =	simm.s32 $0x47F0  }
0xdd: {  	v3 =	vld [tilespmem:s1+$0x0]  }
0xde: {  	v5 =	vld [tilespmem:s1+$0xFFFFFFA0]  }
0xdf: {  	v7 =	vld [tilespmem:s1+$0xFFFFFFB0]  }
0xe0: {  	v4 =	vld [tilespmem:s1+$0xFFFFFFC0]  }
0xe1: {  	v2 =	vld [tilespmem:s1+$0xFFFFFFD0]  }
0xe2: {  	v1 =	vld [tilespmem:s1+$0xFFFFFFE0];
	v8 =	vadd.f32 v3, v0  }
0xe3: {  	v3 =	vld [tilespmem:s1+$0xFFFFFFF0];
	v6 =	vadd.f32 v5, v0  }
0xe4: {  	s6 =	simm.s32 $0x49F0;
	s3 =	simm.s32 $0x0;
	v5 =	vld [tilespmem:s1+$0xFFFFFF90];
	v7 =	vadd.f32 v7, v0;
	[tilespmem:s1+$0x0] =	vst v8  }
.LBB2_17:
0xe5: {  	v8 =	vld [tilespmem:s6+$0x0];
	s3 =	sadd.s32 $0x80, s3;
	[tilespmem:s1+$0xFFFFFFA0] =	vst v6;
	v4 =	vadd.f32 v4, v0  }
0xe6: {  	v6 =	vld [tilespmem:s6+$0xFFFFFFA0];
	p1 =	slt.u32 s3, $0xF80;
	[tilespmem:s1+$0xFFFFFFB0] =	vst v7;
	v2 =	vadd.f32 v2, v0  }
0xe7: {  	v7 =	vld [tilespmem:s6+$0xFFFFFFB0];
	[tilespmem:s1+$0xFFFFFFC0] =	vst v4;
	v1 =	vadd.f32 v1, v0  }
.Ltmp9:
0xe8: {  	v4 =	vld [tilespmem:s6+$0xFFFFFFC0];
	[tilespmem:s1+$0xFFFFFFD0] =	vst v2;
	v3 =	vadd.f32 v3, v0;
	(pc) =	sbr.rel @p1 .LBB2_17-.Ltmp9, $4  }
0xe9: {  	v2 =	vld [tilespmem:s6+$0xFFFFFFD0];
	v5 =	vadd.f32 v5, v0;
	[tilespmem:s1+$0xFFFFFFE0] =	vst v1  }
0xea: {  	v1 =	vld [tilespmem:s6+$0xFFFFFFE0];
	v8 =	vadd.f32 v8, v0;
	[tilespmem:s1+$0xFFFFFFF0] =	vst v3  }
0xeb: {  	v6 =	vadd.f32 v6, v0;
	v3 =	vld [tilespmem:s6+$0xFFFFFFF0];
	[tilespmem:s1+$0xFFFFFF90] =	vst v5;
	s1 =	smov.u32 s6  }
0xec: {  	s6 =	sadd.s32 $0x200, s6;
	v5 =	vld [tilespmem:s1+$0xFFFFFF90];
	v7 =	vadd.f32 v7, v0;
	[tilespmem:s1+$0x0] =	vst v8  }
0xed: {  	[tilespmem:s1+$0xFFFFFFA0] =	vst v6;
	v4 =	vadd.f32 v4, v0  }
0xee: {  	[tilespmem:s1+$0xFFFFFFB0] =	vst v7;
	v2 =	vadd.f32 v2, v0  }
0xef: {  	[tilespmem:s1+$0xFFFFFFC0] =	vst v4;
	v1 =	vadd.f32 v1, v0  }
0xf0: {  	[tilespmem:s1+$0xFFFFFFD0] =	vst v2;
	v2 =	vadd.f32 v3, v0  }
0xf1: {  	v0 =	vadd.f32 v5, v0;
	[tilespmem:s1+$0xFFFFFFE0] =	vst v1  }
0xf2: {  	s3 =	sand.u32 $0x1FFFE000, s0;
	[tilespmem:s1+$0xFFFFFFF0] =	vst v2  }
0xf3: {  	s7 =	sadd.s32 s3, s11;
	s3 =	simm.s32 @!p0 $0x6;
	[tilespmem:s1+$0xFFFFFF90] =	vst v0  }
0xf4: {  	[hbm4b:s7+s15] =	stream.strided.scatter [tilespmem:s18], [sflag:$0x6], $0x4000, s16, s15, $0x38;
	[tilespmem:$0x10600] =	vst v63  }
0xf5: {  	s0 =	sand.u32 @!p0 $0xFFFE000, s0;
	s6 =	simm.s32 @!p0 $0x400;
	_ =	swait.ge @!p0 [sflag:s3], $0x4000  }
0xf6: {  	s0 =	sadd.s32 @!p0 s0, s12;
	s1 =	sshll.u32 s31, $0x2;
	[sflag:s3] =	ssyncset.done @!p0 $0x0  }
0xf7: {  	s7 =	simm.s32 @!p0 $0x4600;
	[sflag:s3] =	ssyncadd.s32 @!p0 $0xFFFFC000;
	s3 =	simm.s32 @!p0 $0x200  }
0xf8: {  	[tilespmem:s7], [sflag:$0x2] =	stream.strided.gather @!p0 [hbm4b:s0+s3], $0x4000, s6, s3, $0x38;
	[tilespmem:$0x10600] =	vst v63  }
0xf9: {  	s0 =	sor.u32 $0x2, s1;
	_ =	swait.ge [sflag:s23], $0x4000  }
0xfa: {  	s8 =	sshll.u32 s0, $0x6;
	[sflag:s23] =	ssyncset.done $0x0  }
0xfb: {  	s3 =	sand.u32 $0x3FFFFFC0, s8;
	[sflag:s23] =	ssyncadd.s32 $0xFFFFC000  }
0xfc: {  	s6 =	simm.s32 $0x8670;
	v0 =	vld [tilespmem:s3+$0x0]  }
0xfd: {  	v3 =	vld [tilespmem:s6+$0x0]  }
0xfe: {  	v5 =	vld [tilespmem:s6+$0xFFFFFFA0]  }
0xff: {  	v7 =	vld [tilespmem:s6+$0xFFFFFFB0]  }
0x100: {  	v4 =	vld [tilespmem:s6+$0xFFFFFFC0]  }
0x101: {  	v2 =	vld [tilespmem:s6+$0xFFFFFFD0]  }
0x102: {  	v1 =	vld [tilespmem:s6+$0xFFFFFFE0];
	v8 =	vadd.f32 v3, v0  }
0x103: {  	v3 =	vld [tilespmem:s6+$0xFFFFFFF0];
	v6 =	vadd.f32 v5, v0  }
0x104: {  	s7 =	simm.s32 $0x0;
	s8 =	simm.s32 $0x8870;
	v5 =	vld [tilespmem:s6+$0xFFFFFF90];
	v7 =	vadd.f32 v7, v0;
	[tilespmem:s6+$0x0] =	vst v8  }
.LBB2_19:
0x105: {  	v8 =	vld [tilespmem:s8+$0x0];
	s7 =	sadd.s32 $0x80, s7;
	[tilespmem:s6+$0xFFFFFFA0] =	vst v6;
	v4 =	vadd.f32 v4, v0  }
0x106: {  	v6 =	vld [tilespmem:s8+$0xFFFFFFA0];
	p1 =	slt.u32 s7, $0xF80;
	[tilespmem:s6+$0xFFFFFFB0] =	vst v7;
	v2 =	vadd.f32 v2, v0  }
0x107: {  	v7 =	vld [tilespmem:s8+$0xFFFFFFB0];
	[tilespmem:s6+$0xFFFFFFC0] =	vst v4;
	v1 =	vadd.f32 v1, v0  }
.Ltmp10:
0x108: {  	v4 =	vld [tilespmem:s8+$0xFFFFFFC0];
	[tilespmem:s6+$0xFFFFFFD0] =	vst v2;
	v3 =	vadd.f32 v3, v0;
	(pc) =	sbr.rel @p1 .LBB2_19-.Ltmp10, $4  }
0x109: {  	v2 =	vld [tilespmem:s8+$0xFFFFFFD0];
	v5 =	vadd.f32 v5, v0;
	[tilespmem:s6+$0xFFFFFFE0] =	vst v1  }
0x10a: {  	v1 =	vld [tilespmem:s8+$0xFFFFFFE0];
	v8 =	vadd.f32 v8, v0;
	[tilespmem:s6+$0xFFFFFFF0] =	vst v3  }
0x10b: {  	v6 =	vadd.f32 v6, v0;
	v3 =	vld [tilespmem:s8+$0xFFFFFFF0];
	[tilespmem:s6+$0xFFFFFF90] =	vst v5;
	s6 =	smov.u32 s8  }
0x10c: {  	s8 =	sadd.s32 $0x200, s8;
	v5 =	vld [tilespmem:s6+$0xFFFFFF90];
	v7 =	vadd.f32 v7, v0;
	[tilespmem:s6+$0x0] =	vst v8  }
0x10d: {  	[tilespmem:s6+$0xFFFFFFA0] =	vst v6;
	v4 =	vadd.f32 v4, v0  }
0x10e: {  	[tilespmem:s6+$0xFFFFFFB0] =	vst v7;
	v2 =	vadd.f32 v2, v0  }
0x10f: {  	[tilespmem:s6+$0xFFFFFFC0] =	vst v4;
	v1 =	vadd.f32 v1, v0  }
0x110: {  	[tilespmem:s6+$0xFFFFFFD0] =	vst v2;
	v2 =	vadd.f32 v3, v0  }
0x111: {  	v0 =	vadd.f32 v5, v0;
	[tilespmem:s6+$0xFFFFFFE0] =	vst v1  }
0x112: {  	[tilespmem:s6+$0xFFFFFFF0] =	vst v2  }
0x113: {  	[tilespmem:s6+$0xFFFFFF90] =	vst v0  }
0x114: {  	s6 =	simm.s32 $0x86F0;
	v0 =	vld [tilespmem:s3+$0x10]  }
0x115: {  	v3 =	vld [tilespmem:s6+$0x0]  }
0x116: {  	v5 =	vld [tilespmem:s6+$0xFFFFFFA0]  }
0x117: {  	v7 =	vld [tilespmem:s6+$0xFFFFFFB0]  }
0x118: {  	v4 =	vld [tilespmem:s6+$0xFFFFFFC0]  }
0x119: {  	v2 =	vld [tilespmem:s6+$0xFFFFFFD0]  }
0x11a: {  	v1 =	vld [tilespmem:s6+$0xFFFFFFE0];
	v8 =	vadd.f32 v3, v0  }
0x11b: {  	v3 =	vld [tilespmem:s6+$0xFFFFFFF0];
	v6 =	vadd.f32 v5, v0  }
0x11c: {  	s7 =	simm.s32 $0x0;
	s8 =	simm.s32 $0x88F0;
	v5 =	vld [tilespmem:s6+$0xFFFFFF90];
	v7 =	vadd.f32 v7, v0;
	[tilespmem:s6+$0x0] =	vst v8  }
.LBB2_21:
0x11d: {  	v8 =	vld [tilespmem:s8+$0x0];
	s7 =	sadd.s32 $0x80, s7;
	[tilespmem:s6+$0xFFFFFFA0] =	vst v6;
	v4 =	vadd.f32 v4, v0  }
0x11e: {  	v6 =	vld [tilespmem:s8+$0xFFFFFFA0];
	p1 =	slt.u32 s7, $0xF80;
	[tilespmem:s6+$0xFFFFFFB0] =	vst v7;
	v2 =	vadd.f32 v2, v0  }
0x11f: {  	v7 =	vld [tilespmem:s8+$0xFFFFFFB0];
	[tilespmem:s6+$0xFFFFFFC0] =	vst v4;
	v1 =	vadd.f32 v1, v0  }
.Ltmp11:
0x120: {  	v4 =	vld [tilespmem:s8+$0xFFFFFFC0];
	[tilespmem:s6+$0xFFFFFFD0] =	vst v2;
	v3 =	vadd.f32 v3, v0;
	(pc) =	sbr.rel @p1 .LBB2_21-.Ltmp11, $4  }
0x121: {  	v2 =	vld [tilespmem:s8+$0xFFFFFFD0];
	v5 =	vadd.f32 v5, v0;
	[tilespmem:s6+$0xFFFFFFE0] =	vst v1  }
0x122: {  	v1 =	vld [tilespmem:s8+$0xFFFFFFE0];
	v8 =	vadd.f32 v8, v0;
	[tilespmem:s6+$0xFFFFFFF0] =	vst v3  }
0x123: {  	v6 =	vadd.f32 v6, v0;
	v3 =	vld [tilespmem:s8+$0xFFFFFFF0];
	[tilespmem:s6+$0xFFFFFF90] =	vst v5;
	s6 =	smov.u32 s8  }
0x124: {  	s8 =	sadd.s32 $0x200, s8;
	v5 =	vld [tilespmem:s6+$0xFFFFFF90];
	v7 =	vadd.f32 v7, v0;
	[tilespmem:s6+$0x0] =	vst v8  }
0x125: {  	[tilespmem:s6+$0xFFFFFFA0] =	vst v6;
	v4 =	vadd.f32 v4, v0  }
0x126: {  	[tilespmem:s6+$0xFFFFFFB0] =	vst v7;
	v2 =	vadd.f32 v2, v0  }
0x127: {  	[tilespmem:s6+$0xFFFFFFC0] =	vst v4;
	v1 =	vadd.f32 v1, v0  }
0x128: {  	[tilespmem:s6+$0xFFFFFFD0] =	vst v2;
	v2 =	vadd.f32 v3, v0  }
0x129: {  	v0 =	vadd.f32 v5, v0;
	[tilespmem:s6+$0xFFFFFFE0] =	vst v1  }
0x12a: {  	[tilespmem:s6+$0xFFFFFFF0] =	vst v2  }
0x12b: {  	[tilespmem:s6+$0xFFFFFF90] =	vst v0  }
0x12c: {  	s6 =	simm.s32 $0x8770;
	v0 =	vld [tilespmem:s3+$0x20]  }
0x12d: {  	v3 =	vld [tilespmem:s6+$0x0]  }
0x12e: {  	v5 =	vld [tilespmem:s6+$0xFFFFFFA0]  }
0x12f: {  	v7 =	vld [tilespmem:s6+$0xFFFFFFB0]  }
0x130: {  	v4 =	vld [tilespmem:s6+$0xFFFFFFC0]  }
0x131: {  	v2 =	vld [tilespmem:s6+$0xFFFFFFD0]  }
0x132: {  	v1 =	vld [tilespmem:s6+$0xFFFFFFE0];
	v8 =	vadd.f32 v3, v0  }
0x133: {  	v3 =	vld [tilespmem:s6+$0xFFFFFFF0];
	v6 =	vadd.f32 v5, v0  }
0x134: {  	s7 =	simm.s32 $0x0;
	s8 =	simm.s32 $0x8970;
	v5 =	vld [tilespmem:s6+$0xFFFFFF90];
	v7 =	vadd.f32 v7, v0;
	[tilespmem:s6+$0x0] =	vst v8  }
.LBB2_23:
0x135: {  	v8 =	vld [tilespmem:s8+$0x0];
	s7 =	sadd.s32 $0x80, s7;
	[tilespmem:s6+$0xFFFFFFA0] =	vst v6;
	v4 =	vadd.f32 v4, v0  }
0x136: {  	v6 =	vld [tilespmem:s8+$0xFFFFFFA0];
	p1 =	slt.u32 s7, $0xF80;
	[tilespmem:s6+$0xFFFFFFB0] =	vst v7;
	v2 =	vadd.f32 v2, v0  }
0x137: {  	v7 =	vld [tilespmem:s8+$0xFFFFFFB0];
	[tilespmem:s6+$0xFFFFFFC0] =	vst v4;
	v1 =	vadd.f32 v1, v0  }
.Ltmp12:
0x138: {  	v4 =	vld [tilespmem:s8+$0xFFFFFFC0];
	[tilespmem:s6+$0xFFFFFFD0] =	vst v2;
	v3 =	vadd.f32 v3, v0;
	(pc) =	sbr.rel @p1 .LBB2_23-.Ltmp12, $4  }
0x139: {  	v2 =	vld [tilespmem:s8+$0xFFFFFFD0];
	v5 =	vadd.f32 v5, v0;
	[tilespmem:s6+$0xFFFFFFE0] =	vst v1  }
0x13a: {  	v1 =	vld [tilespmem:s8+$0xFFFFFFE0];
	v8 =	vadd.f32 v8, v0;
	[tilespmem:s6+$0xFFFFFFF0] =	vst v3  }
0x13b: {  	v6 =	vadd.f32 v6, v0;
	v3 =	vld [tilespmem:s8+$0xFFFFFFF0];
	[tilespmem:s6+$0xFFFFFF90] =	vst v5;
	s6 =	smov.u32 s8  }
0x13c: {  	s8 =	sadd.s32 $0x200, s8;
	v5 =	vld [tilespmem:s6+$0xFFFFFF90];
	v7 =	vadd.f32 v7, v0;
	[tilespmem:s6+$0x0] =	vst v8  }
0x13d: {  	[tilespmem:s6+$0xFFFFFFA0] =	vst v6;
	v4 =	vadd.f32 v4, v0  }
0x13e: {  	[tilespmem:s6+$0xFFFFFFB0] =	vst v7;
	v2 =	vadd.f32 v2, v0  }
0x13f: {  	[tilespmem:s6+$0xFFFFFFC0] =	vst v4;
	v1 =	vadd.f32 v1, v0  }
0x140: {  	[tilespmem:s6+$0xFFFFFFD0] =	vst v2;
	v2 =	vadd.f32 v3, v0  }
0x141: {  	v0 =	vadd.f32 v5, v0;
	[tilespmem:s6+$0xFFFFFFE0] =	vst v1  }
0x142: {  	[tilespmem:s6+$0xFFFFFFF0] =	vst v2  }
0x143: {  	[tilespmem:s6+$0xFFFFFF90] =	vst v0  }
0x144: {  	v0 =	vld [tilespmem:s3+$0x30];
	s3 =	simm.s32 $0x87F0  }
0x145: {  	v3 =	vld [tilespmem:s3+$0x0]  }
0x146: {  	v5 =	vld [tilespmem:s3+$0xFFFFFFA0]  }
0x147: {  	v7 =	vld [tilespmem:s3+$0xFFFFFFB0]  }
0x148: {  	v4 =	vld [tilespmem:s3+$0xFFFFFFC0]  }
0x149: {  	v2 =	vld [tilespmem:s3+$0xFFFFFFD0]  }
0x14a: {  	v1 =	vld [tilespmem:s3+$0xFFFFFFE0];
	v8 =	vadd.f32 v3, v0  }
0x14b: {  	v3 =	vld [tilespmem:s3+$0xFFFFFFF0];
	v6 =	vadd.f32 v5, v0  }
0x14c: {  	s7 =	simm.s32 $0x89F0;
	s6 =	simm.s32 $0x0;
	v5 =	vld [tilespmem:s3+$0xFFFFFF90];
	v7 =	vadd.f32 v7, v0;
	[tilespmem:s3+$0x0] =	vst v8  }
.LBB2_25:
0x14d: {  	v8 =	vld [tilespmem:s7+$0x0];
	s6 =	sadd.s32 $0x80, s6;
	[tilespmem:s3+$0xFFFFFFA0] =	vst v6;
	v4 =	vadd.f32 v4, v0  }
0x14e: {  	v6 =	vld [tilespmem:s7+$0xFFFFFFA0];
	p1 =	slt.u32 s6, $0xF80;
	[tilespmem:s3+$0xFFFFFFB0] =	vst v7;
	v2 =	vadd.f32 v2, v0  }
0x14f: {  	v7 =	vld [tilespmem:s7+$0xFFFFFFB0];
	[tilespmem:s3+$0xFFFFFFC0] =	vst v4;
	v1 =	vadd.f32 v1, v0  }
.Ltmp13:
0x150: {  	v4 =	vld [tilespmem:s7+$0xFFFFFFC0];
	[tilespmem:s3+$0xFFFFFFD0] =	vst v2;
	v3 =	vadd.f32 v3, v0;
	(pc) =	sbr.rel @p1 .LBB2_25-.Ltmp13, $4  }
0x151: {  	v2 =	vld [tilespmem:s7+$0xFFFFFFD0];
	v5 =	vadd.f32 v5, v0;
	[tilespmem:s3+$0xFFFFFFE0] =	vst v1  }
0x152: {  	v1 =	vld [tilespmem:s7+$0xFFFFFFE0];
	v8 =	vadd.f32 v8, v0;
	[tilespmem:s3+$0xFFFFFFF0] =	vst v3  }
0x153: {  	v6 =	vadd.f32 v6, v0;
	v3 =	vld [tilespmem:s7+$0xFFFFFFF0];
	[tilespmem:s3+$0xFFFFFF90] =	vst v5;
	s3 =	smov.u32 s7  }
0x154: {  	s7 =	sadd.s32 $0x200, s7;
	v5 =	vld [tilespmem:s3+$0xFFFFFF90];
	v7 =	vadd.f32 v7, v0;
	[tilespmem:s3+$0x0] =	vst v8  }
0x155: {  	[tilespmem:s3+$0xFFFFFFA0] =	vst v6;
	v4 =	vadd.f32 v4, v0  }
0x156: {  	[tilespmem:s3+$0xFFFFFFB0] =	vst v7;
	v2 =	vadd.f32 v2, v0  }
0x157: {  	[tilespmem:s3+$0xFFFFFFC0] =	vst v4;
	v1 =	vadd.f32 v1, v0  }
0x158: {  	[tilespmem:s3+$0xFFFFFFD0] =	vst v2;
	v2 =	vadd.f32 v3, v0  }
0x159: {  	s0 =	sshll.u32 s0, $0xB;
	v0 =	vadd.f32 v5, v0;
	[tilespmem:s3+$0xFFFFFFE0] =	vst v1  }
0x15a: {  	s0 =	sadd.s32 s4, s0;
	[tilespmem:s3+$0xFFFFFFF0] =	vst v2  }
0x15b: {  	s7 =	sadd.s32 s2, s0;
	[tilespmem:s3+$0xFFFFFF90] =	vst v0;
	s3 =	simm.s32 @!p0 $0x7  }
0x15c: {  	[hbm4b:s7+s15] =	stream.strided.scatter [tilespmem:s19], [sflag:$0x7], $0x4000, s16, s15, $0x38;
	[tilespmem:$0x10600] =	vst v63  }
0x15d: {  	_ =	swait.ge @!p0 [sflag:s3], $0x4000  }
0x15e: {  	s6 =	simm.s32 @!p0 $0x400;
	s0 =	sadd.s32 @!p0 s0, s10;
	[sflag:s3] =	ssyncset.done @!p0 $0x0  }
0x15f: {  	s7 =	simm.s32 @!p0 $0x8600;
	[sflag:s3] =	ssyncadd.s32 @!p0 $0xFFFFC000;
	s3 =	simm.s32 @!p0 $0x200  }
0x160: {  	[tilespmem:s7], [sflag:$0x3] =	stream.strided.gather @!p0 [hbm4b:s0+s3], $0x4000, s6, s3, $0x38;
	[tilespmem:$0x10600] =	vst v63  }
0x161: {  	s0 =	sor.u32 $0x3, s1;
	_ =	swait.ge [sflag:s24], $0x4000  }
0x162: {  	s1 =	sshll.u32 s0, $0x6;
	[sflag:s24] =	ssyncset.done $0x0  }
0x163: {  	s8 =	sand.u32 $0x3FFFFFC0, s1;
	[sflag:s24] =	ssyncadd.s32 $0xFFFFC000  }
0x164: {  	s3 =	simm.s32 $0xC670;
	v0 =	vld [tilespmem:s8+$0x0]  }
0x165: {  	v3 =	vld [tilespmem:s3+$0x0]  }
0x166: {  	v5 =	vld [tilespmem:s3+$0xFFFFFFA0]  }
0x167: {  	v7 =	vld [tilespmem:s3+$0xFFFFFFB0]  }
0x168: {  	v4 =	vld [tilespmem:s3+$0xFFFFFFC0]  }
0x169: {  	v2 =	vld [tilespmem:s3+$0xFFFFFFD0]  }
0x16a: {  	v1 =	vld [tilespmem:s3+$0xFFFFFFE0];
	v8 =	vadd.f32 v3, v0  }
0x16b: {  	v3 =	vld [tilespmem:s3+$0xFFFFFFF0];
	v6 =	vadd.f32 v5, v0  }
0x16c: {  	s6 =	simm.s32 $0x0;
	s7 =	simm.s32 $0xC870;
	v5 =	vld [tilespmem:s3+$0xFFFFFF90];
	v7 =	vadd.f32 v7, v0;
	[tilespmem:s3+$0x0] =	vst v8  }
.LBB2_27:
0x16d: {  	v8 =	vld [tilespmem:s7+$0x0];
	s6 =	sadd.s32 $0x80, s6;
	[tilespmem:s3+$0xFFFFFFA0] =	vst v6;
	v4 =	vadd.f32 v4, v0  }
0x16e: {  	v6 =	vld [tilespmem:s7+$0xFFFFFFA0];
	p1 =	slt.u32 s6, $0xF80;
	[tilespmem:s3+$0xFFFFFFB0] =	vst v7;
	v2 =	vadd.f32 v2, v0  }
0x16f: {  	v7 =	vld [tilespmem:s7+$0xFFFFFFB0];
	[tilespmem:s3+$0xFFFFFFC0] =	vst v4;
	v1 =	vadd.f32 v1, v0  }
.Ltmp14:
0x170: {  	v4 =	vld [tilespmem:s7+$0xFFFFFFC0];
	[tilespmem:s3+$0xFFFFFFD0] =	vst v2;
	v3 =	vadd.f32 v3, v0;
	(pc) =	sbr.rel @p1 .LBB2_27-.Ltmp14, $4  }
0x171: {  	v2 =	vld [tilespmem:s7+$0xFFFFFFD0];
	v5 =	vadd.f32 v5, v0;
	[tilespmem:s3+$0xFFFFFFE0] =	vst v1  }
0x172: {  	v1 =	vld [tilespmem:s7+$0xFFFFFFE0];
	v8 =	vadd.f32 v8, v0;
	[tilespmem:s3+$0xFFFFFFF0] =	vst v3  }
0x173: {  	v6 =	vadd.f32 v6, v0;
	v3 =	vld [tilespmem:s7+$0xFFFFFFF0];
	[tilespmem:s3+$0xFFFFFF90] =	vst v5;
	s3 =	smov.u32 s7  }
0x174: {  	s7 =	sadd.s32 $0x200, s7;
	v5 =	vld [tilespmem:s3+$0xFFFFFF90];
	v7 =	vadd.f32 v7, v0;
	[tilespmem:s3+$0x0] =	vst v8  }
0x175: {  	[tilespmem:s3+$0xFFFFFFA0] =	vst v6;
	v4 =	vadd.f32 v4, v0  }
0x176: {  	[tilespmem:s3+$0xFFFFFFB0] =	vst v7;
	v2 =	vadd.f32 v2, v0  }
0x177: {  	[tilespmem:s3+$0xFFFFFFC0] =	vst v4;
	v1 =	vadd.f32 v1, v0  }
0x178: {  	[tilespmem:s3+$0xFFFFFFD0] =	vst v2;
	v2 =	vadd.f32 v3, v0  }
0x179: {  	v0 =	vadd.f32 v5, v0;
	[tilespmem:s3+$0xFFFFFFE0] =	vst v1  }
0x17a: {  	[tilespmem:s3+$0xFFFFFFF0] =	vst v2  }
0x17b: {  	s8 =	sor.u32 $0x50, s1;
	[tilespmem:s3+$0xFFFFFF90] =	vst v0  }
0x17c: {  	s3 =	simm.s32 $0xC6F0;
	v0 =	vld [tilespmem:s8+$0x0]  }
0x17d: {  	v3 =	vld [tilespmem:s3+$0x0]  }
0x17e: {  	v5 =	vld [tilespmem:s3+$0xFFFFFFA0]  }
0x17f: {  	v7 =	vld [tilespmem:s3+$0xFFFFFFB0]  }
0x180: {  	v4 =	vld [tilespmem:s3+$0xFFFFFFC0]  }
0x181: {  	v2 =	vld [tilespmem:s3+$0xFFFFFFD0]  }
0x182: {  	v1 =	vld [tilespmem:s3+$0xFFFFFFE0];
	v8 =	vadd.f32 v3, v0  }
0x183: {  	v3 =	vld [tilespmem:s3+$0xFFFFFFF0];
	v6 =	vadd.f32 v5, v0  }
0x184: {  	s6 =	simm.s32 $0x0;
	s7 =	simm.s32 $0xC8F0;
	v5 =	vld [tilespmem:s3+$0xFFFFFF90];
	v7 =	vadd.f32 v7, v0;
	[tilespmem:s3+$0x0] =	vst v8  }
.LBB2_29:
0x185: {  	v8 =	vld [tilespmem:s7+$0x0];
	s6 =	sadd.s32 $0x80, s6;
	[tilespmem:s3+$0xFFFFFFA0] =	vst v6;
	v4 =	vadd.f32 v4, v0  }
0x186: {  	v6 =	vld [tilespmem:s7+$0xFFFFFFA0];
	p1 =	slt.u32 s6, $0xF80;
	[tilespmem:s3+$0xFFFFFFB0] =	vst v7;
	v2 =	vadd.f32 v2, v0  }
0x187: {  	v7 =	vld [tilespmem:s7+$0xFFFFFFB0];
	[tilespmem:s3+$0xFFFFFFC0] =	vst v4;
	v1 =	vadd.f32 v1, v0  }
.Ltmp15:
0x188: {  	v4 =	vld [tilespmem:s7+$0xFFFFFFC0];
	[tilespmem:s3+$0xFFFFFFD0] =	vst v2;
	v3 =	vadd.f32 v3, v0;
	(pc) =	sbr.rel @p1 .LBB2_29-.Ltmp15, $4  }
0x189: {  	v2 =	vld [tilespmem:s7+$0xFFFFFFD0];
	v5 =	vadd.f32 v5, v0;
	[tilespmem:s3+$0xFFFFFFE0] =	vst v1  }
0x18a: {  	v1 =	vld [tilespmem:s7+$0xFFFFFFE0];
	v8 =	vadd.f32 v8, v0;
	[tilespmem:s3+$0xFFFFFFF0] =	vst v3  }
0x18b: {  	v6 =	vadd.f32 v6, v0;
	v3 =	vld [tilespmem:s7+$0xFFFFFFF0];
	[tilespmem:s3+$0xFFFFFF90] =	vst v5;
	s3 =	smov.u32 s7  }
0x18c: {  	s7 =	sadd.s32 $0x200, s7;
	v5 =	vld [tilespmem:s3+$0xFFFFFF90];
	v7 =	vadd.f32 v7, v0;
	[tilespmem:s3+$0x0] =	vst v8  }
0x18d: {  	[tilespmem:s3+$0xFFFFFFA0] =	vst v6;
	v4 =	vadd.f32 v4, v0  }
0x18e: {  	[tilespmem:s3+$0xFFFFFFB0] =	vst v7;
	v2 =	vadd.f32 v2, v0  }
0x18f: {  	[tilespmem:s3+$0xFFFFFFC0] =	vst v4;
	v1 =	vadd.f32 v1, v0  }
0x190: {  	[tilespmem:s3+$0xFFFFFFD0] =	vst v2;
	v2 =	vadd.f32 v3, v0  }
0x191: {  	v0 =	vadd.f32 v5, v0;
	[tilespmem:s3+$0xFFFFFFE0] =	vst v1  }
0x192: {  	[tilespmem:s3+$0xFFFFFFF0] =	vst v2  }
0x193: {  	s8 =	sor.u32 $0x60, s1;
	[tilespmem:s3+$0xFFFFFF90] =	vst v0  }
0x194: {  	s3 =	simm.s32 $0xC770;
	v0 =	vld [tilespmem:s8+$0x0]  }
0x195: {  	v3 =	vld [tilespmem:s3+$0x0]  }
0x196: {  	v5 =	vld [tilespmem:s3+$0xFFFFFFA0]  }
0x197: {  	v7 =	vld [tilespmem:s3+$0xFFFFFFB0]  }
0x198: {  	v4 =	vld [tilespmem:s3+$0xFFFFFFC0]  }
0x199: {  	v2 =	vld [tilespmem:s3+$0xFFFFFFD0]  }
0x19a: {  	v1 =	vld [tilespmem:s3+$0xFFFFFFE0];
	v8 =	vadd.f32 v3, v0  }
0x19b: {  	v3 =	vld [tilespmem:s3+$0xFFFFFFF0];
	v6 =	vadd.f32 v5, v0  }
0x19c: {  	s6 =	simm.s32 $0x0;
	s7 =	simm.s32 $0xC970;
	v5 =	vld [tilespmem:s3+$0xFFFFFF90];
	v7 =	vadd.f32 v7, v0;
	[tilespmem:s3+$0x0] =	vst v8  }
.LBB2_31:
0x19d: {  	v8 =	vld [tilespmem:s7+$0x0];
	s6 =	sadd.s32 $0x80, s6;
	[tilespmem:s3+$0xFFFFFFA0] =	vst v6;
	v4 =	vadd.f32 v4, v0  }
0x19e: {  	v6 =	vld [tilespmem:s7+$0xFFFFFFA0];
	p1 =	slt.u32 s6, $0xF80;
	[tilespmem:s3+$0xFFFFFFB0] =	vst v7;
	v2 =	vadd.f32 v2, v0  }
0x19f: {  	v7 =	vld [tilespmem:s7+$0xFFFFFFB0];
	[tilespmem:s3+$0xFFFFFFC0] =	vst v4;
	v1 =	vadd.f32 v1, v0  }
.Ltmp16:
0x1a0: {  	v4 =	vld [tilespmem:s7+$0xFFFFFFC0];
	[tilespmem:s3+$0xFFFFFFD0] =	vst v2;
	v3 =	vadd.f32 v3, v0;
	(pc) =	sbr.rel @p1 .LBB2_31-.Ltmp16, $4  }
0x1a1: {  	v2 =	vld [tilespmem:s7+$0xFFFFFFD0];
	v5 =	vadd.f32 v5, v0;
	[tilespmem:s3+$0xFFFFFFE0] =	vst v1  }
0x1a2: {  	v1 =	vld [tilespmem:s7+$0xFFFFFFE0];
	v8 =	vadd.f32 v8, v0;
	[tilespmem:s3+$0xFFFFFFF0] =	vst v3  }
0x1a3: {  	v6 =	vadd.f32 v6, v0;
	v3 =	vld [tilespmem:s7+$0xFFFFFFF0];
	[tilespmem:s3+$0xFFFFFF90] =	vst v5;
	s3 =	smov.u32 s7  }
0x1a4: {  	s7 =	sadd.s32 $0x200, s7;
	v5 =	vld [tilespmem:s3+$0xFFFFFF90];
	v7 =	vadd.f32 v7, v0;
	[tilespmem:s3+$0x0] =	vst v8  }
0x1a5: {  	[tilespmem:s3+$0xFFFFFFA0] =	vst v6;
	v4 =	vadd.f32 v4, v0  }
0x1a6: {  	[tilespmem:s3+$0xFFFFFFB0] =	vst v7;
	v2 =	vadd.f32 v2, v0  }
0x1a7: {  	[tilespmem:s3+$0xFFFFFFC0] =	vst v4;
	v1 =	vadd.f32 v1, v0  }
0x1a8: {  	[tilespmem:s3+$0xFFFFFFD0] =	vst v2;
	v2 =	vadd.f32 v3, v0  }
0x1a9: {  	v0 =	vadd.f32 v5, v0;
	[tilespmem:s3+$0xFFFFFFE0] =	vst v1  }
0x1aa: {  	[tilespmem:s3+$0xFFFFFFF0] =	vst v2  }
0x1ab: {  	s1 =	sor.u32 $0x70, s1;
	[tilespmem:s3+$0xFFFFFF90] =	vst v0  }
0x1ac: {  	v0 =	vld [tilespmem:s1+$0x0];
	s1 =	simm.s32 $0xC7F0  }
0x1ad: {  	v3 =	vld [tilespmem:s1+$0x0]  }
0x1ae: {  	v5 =	vld [tilespmem:s1+$0xFFFFFFA0]  }
0x1af: {  	v7 =	vld [tilespmem:s1+$0xFFFFFFB0]  }
0x1b0: {  	v4 =	vld [tilespmem:s1+$0xFFFFFFC0]  }
0x1b1: {  	v2 =	vld [tilespmem:s1+$0xFFFFFFD0]  }
0x1b2: {  	v1 =	vld [tilespmem:s1+$0xFFFFFFE0];
	v8 =	vadd.f32 v3, v0  }
0x1b3: {  	v3 =	vld [tilespmem:s1+$0xFFFFFFF0];
	v6 =	vadd.f32 v5, v0  }
0x1b4: {  	s6 =	simm.s32 $0xC9F0;
	s3 =	simm.s32 $0x0;
	v5 =	vld [tilespmem:s1+$0xFFFFFF90];
	v7 =	vadd.f32 v7, v0;
	[tilespmem:s1+$0x0] =	vst v8  }
.LBB2_33:
0x1b5: {  	v8 =	vld [tilespmem:s6+$0x0];
	s3 =	sadd.s32 $0x80, s3;
	[tilespmem:s1+$0xFFFFFFA0] =	vst v6;
	v4 =	vadd.f32 v4, v0  }
0x1b6: {  	v6 =	vld [tilespmem:s6+$0xFFFFFFA0];
	p1 =	slt.u32 s3, $0xF80;
	[tilespmem:s1+$0xFFFFFFB0] =	vst v7;
	v2 =	vadd.f32 v2, v0  }
0x1b7: {  	v7 =	vld [tilespmem:s6+$0xFFFFFFB0];
	[tilespmem:s1+$0xFFFFFFC0] =	vst v4;
	v1 =	vadd.f32 v1, v0  }
.Ltmp17:
0x1b8: {  	v4 =	vld [tilespmem:s6+$0xFFFFFFC0];
	[tilespmem:s1+$0xFFFFFFD0] =	vst v2;
	v3 =	vadd.f32 v3, v0;
	(pc) =	sbr.rel @p1 .LBB2_33-.Ltmp17, $4  }
0x1b9: {  	v2 =	vld [tilespmem:s6+$0xFFFFFFD0];
	v5 =	vadd.f32 v5, v0;
	[tilespmem:s1+$0xFFFFFFE0] =	vst v1  }
0x1ba: {  	v1 =	vld [tilespmem:s6+$0xFFFFFFE0];
	v8 =	vadd.f32 v8, v0;
	[tilespmem:s1+$0xFFFFFFF0] =	vst v3  }
0x1bb: {  	v6 =	vadd.f32 v6, v0;
	v3 =	vld [tilespmem:s6+$0xFFFFFFF0];
	[tilespmem:s1+$0xFFFFFF90] =	vst v5;
	s1 =	smov.u32 s6  }
0x1bc: {  	s6 =	sadd.s32 $0x200, s6;
	v5 =	vld [tilespmem:s1+$0xFFFFFF90];
	v7 =	vadd.f32 v7, v0;
	[tilespmem:s1+$0x0] =	vst v8  }
0x1bd: {  	[tilespmem:s1+$0xFFFFFFA0] =	vst v6;
	v4 =	vadd.f32 v4, v0  }
0x1be: {  	[tilespmem:s1+$0xFFFFFFB0] =	vst v7;
	v2 =	vadd.f32 v2, v0  }
0x1bf: {  	[tilespmem:s1+$0xFFFFFFC0] =	vst v4;
	v1 =	vadd.f32 v1, v0  }
.Ltmp18:
0x1c0: {  	s0 =	sshll.u32 s0, $0xB;
	[tilespmem:s1+$0xFFFFFFD0] =	vst v2;
	v62 =	vadd.f32 v3, v0;
	(pc) =	sbr.rel @p0 .LBB2_36-.Ltmp18, $4  }
0x1c1: {  	s0 =	sadd.s32 s4, s0;
	v63 =	vadd.f32 v5, v0;
	[tilespmem:s1+$0xFFFFFFE0] =	vst v1  }
0x1c2: {  	s0 =	sand.u32 $0x3FF000, s0;
	[tilespmem:s1+$0xFFFFFFF0] =	vst v62  }
0x1c3: {  	s8 =	sadd.s32 s0, s11;
	[tilespmem:s1+$0xFFFFFF90] =	vst v63  }
0x1c4: {  	[hbm4b:s8+s15] =	stream.strided.scatter [tilespmem:s20], [sflag:$0x8], $0x4000, s16, s15, $0x38;
	[tilespmem:$0x10600] =	vst v63  }
.Ltmp19:
0x1c5: {  	(pc) =	sbr.rel .LBB2_2-.Ltmp19, $4  }
0x1c6: {  	_ =	swait.ge [sflag:s29], $0x4000  }
0x1c7: {  	[sflag:s29] =	ssyncset.done $0x0  }
0x1c8: {  	s0 =	sadd.s32 s0, s12;
	s31 =	sadd.s32 $0x1, s31;
	[sflag:s29] =	ssyncadd.s32 $0xFFFFC000  }
0x1c9: {  	[tilespmem:s20], [sflag:$0x4] =	stream.strided.gather [hbm4b:s0+s15], $0x4000, s16, s15, $0x38;
	[tilespmem:$0x10600] =	vst v63  }
.LBB2_37:
0x1ca: {  	_ =	sfence.sel $0x180000  }
0x1cb: {  	[bflag:$0x0] =	sbarrier.arrive $0xFFFF  }
0x1cc: {  	_ =	strace $0x90000047  }
0x1cd: {  	s0 =	stileid.u32;
	[bflag:$0x2] =	sbarrier.arrive $0xFFFF  }
0x1ce: {  	p0 =	sne.s32 s0, $0x0;
	s0 =	rddreg [dreg:$0x3]  }
0x1cf: {  	s0 =	sadd.s32 @!p0 $0x100000, s0  }
0x1d0: {  	[sflag:s0] =	ssyncadd.tile.s32 @!p0 $0x1;
	_ =	shalt  }
.Lfunc_end2:
_tile_overlayer_lowered:
.L_overlay_start_2:
0x1d1: {  	(tag) =	ssettag $0x2  }
0x1d2: {  	s0 =	rddreg [dreg:$0x0];
	s2 =	stileid.u32  }
0x1d3: {  	s1 =	rddreg [dreg:$0x1];
	p0 =	sne.s32 s2, $0x0  }
0x1d4: {  	s3 =	rddreg [dreg:$0x2];
	[bflag:$0x3] =	sbarrier.arrive $0xFFFF;
	s2 =	simm.s32 @!p0 $0x1C09  }
0x1d5: {  	[timem:s3], [sflag:s2] =	dma.local @!p0 [hbm:s0], s1  }
0x1d6: {  	s0 =	simm.s32 @!p0 $0x9  }
0x1d7: {  	_ =	swait.ge @!p0 [sflag:s0], s1  }
0x1d8: {  	s1 =	ssub.s32 @!p0 $0x0, s1;
	[sflag:s0] =	ssyncset.done @!p0 $0x0  }
0x1d9: {  	[sflag:s0] =	ssyncadd.s32 @!p0 s1  }
0x1da: {  	[bflag:$0x3] =	sbarrier.arrive $0xFFFF  }
0x1db: {  	_ =	shalt  }

</sc_bundles>
